<compile_context>
chip_gen: v7x
topology: tpu7x:2x2x1
jax: 0.10.2.dev20260603
libtpu: 0.0.44.dev20260713+nightly
codegen_flags: <defaults>
</compile_context>

<pallas_src>
import functools

import jax
import jax.numpy as jnp
from jax import lax
from jax.experimental import pallas as pl
from jax.experimental.pallas import tpu as pltpu
from jax.experimental.pallas import tpu_sc as plsc

NC = 2
NS = 16
NW = NC * NS
NBUF = 6
D = 3


@functools.lru_cache(maxsize=None)
def _build(n_rows: int, hidden: int, bsz: int, sl: int):
    assert bsz % NW == 0
    bat_w = bsz // NW
    assert bat_w % 8 == 0 and bat_w <= 128
    assert sl > NBUF

    mesh = plsc.VectorSubcoreMesh(core_axis_name="c", subcore_axis_name="s")

    @functools.partial(
        pl.kernel,
        mesh=mesh,
        out_type=[
            jax.ShapeDtypeStruct((sl, bsz, hidden), jnp.float32),
            jax.ShapeDtypeStruct((NW, sl, bat_w), jnp.float32),
        ],
        scratch_types=[
            pltpu.VMEM((sl, bat_w), jnp.int32),
            pltpu.VMEM((NBUF, bat_w, hidden), jnp.float32),
            pltpu.VMEM((sl, bat_w), jnp.float32),
            pltpu.SemaphoreType.DMA,
            pltpu.SemaphoreType.DMA,
            pltpu.SemaphoreType.DMA,
        ],
    )
    def emb_gather(w_hbm, b_hbm, idx_hbm, outw_hbm, outb_hbm,
                   idx_v, rows_v, b_v, gsem, bsem, wsem):
        wid = lax.axis_index("s") * NC + lax.axis_index("c")
        bat0 = wid * bat_w
        pltpu.sync_copy(idx_hbm.at[wid], idx_v)

        for t in range(D):
            pltpu.async_copy(w_hbm.at[idx_v.at[t]], rows_v.at[t], gsem)

        def body(j, carry):
            t = lax.rem(j, NBUF)
            pltpu.async_copy(b_hbm.at[idx_v.at[j]], b_v.at[j], bsem)
            pltpu.make_async_copy(
                w_hbm.at[pl.ds(0, bat_w)], rows_v.at[t], gsem).wait()
            pltpu.async_copy(
                rows_v.at[t], outw_hbm.at[j, pl.ds(bat0, bat_w)], wsem)

            @pl.when(j >= NBUF - D)
            def _():
                pltpu.make_async_copy(
                    rows_v.at[0], outw_hbm.at[0, pl.ds(0, bat_w)],
                    wsem).wait()

            jn = j + D

            @pl.when(jn < sl)
            def _():
                tn = lax.rem(jn, NBUF)
                pltpu.async_copy(w_hbm.at[idx_v.at[jn]], rows_v.at[tn], gsem)

            return carry

        lax.fori_loop(0, sl, body, 0)

        for _ in range(NBUF - D):
            pltpu.make_async_copy(
                rows_v.at[0], outw_hbm.at[0, pl.ds(0, bat_w)], wsem).wait()
        for _ in range(sl):
            pltpu.make_async_copy(
                b_hbm.at[pl.ds(0, bat_w)], b_v.at[0], bsem).wait()
        pltpu.sync_copy(b_v, outb_hbm.at[wid])

    return emb_gather


def kernel(W, b, output_indices):
    n_rows, hidden = W.shape
    bsz, sl = output_indices.shape
    idxT = output_indices.reshape(NW, bsz // NW, sl).transpose(0, 2, 1)
    b_flat = b.reshape(-1)
    outT, outb = _build(n_rows, hidden, bsz, sl)(W, b_flat, idxT)
    w_act = outT.transpose(1, 0, 2)
    b_act = outb.transpose(0, 2, 1).reshape(bsz, sl, 1)
    return (w_act, b_act)

# --- scband reference (transcript-rebuilt; emitter-appended) ---
"""Pipeline reference for scband-transformer-linear-xmchead-33483565040012 (READ-ONLY COPY).

The authoritative reference and input builder live on the scoring server;
editing this copy changes nothing except your own understanding.
"""

import jax, jax.numpy as jnp
import numpy as np

NUM_LABELS = 100000
HIDDEN = 128
BATCH = 4096
SHORTLIST = 50


def setup_inputs(seed: int = 0) -> dict:
    key = jax.random.key(seed)
    kW, ki = jax.random.split(key, 2)
    # Label weight embedding: N(0, 0.02) with PAD row (index num_labels) zeroed
    W = 0.02 * jax.random.normal(kW, (NUM_LABELS + 1, HIDDEN), dtype=jnp.float32)
    W = W.at[NUM_LABELS].set(0.0)
    # Label bias embedding initialized to zeros (per random_init)
    b = jnp.zeros((NUM_LABELS + 1, 1), dtype=jnp.float32)
    output_indices = jax.random.randint(ki, (BATCH, SHORTLIST), 0, NUM_LABELS, dtype=jnp.int32)
    return {"W": W, "b": b, "output_indices": output_indices}


def reference(W, b, output_indices):
    # forward path with output_indices provided: embedding gather on both tables
    W_act = jnp.take(W, output_indices, axis=0)  # [B, L, H]
    b_act = jnp.take(b, output_indices, axis=0)  # [B, L, 1]
    return (W_act, b_act)

if __name__ == "__main__":
    import jax
    _d = setup_inputs()
    print(jax.jit(kernel)(*tuple(_d.values())))

</pallas_src>

<mosaic_0001>
#map = affine_map<(d0, d1) -> (0, 0)>
#map1 = affine_map<(d0, d1) -> (0)>
#map2 = affine_map<(d0, d1) -> (0, 0, 0)>
module attributes {stable_mosaic.version = 14 : i64} {
  func.func @emb_gather(%arg0: i32, %arg1: i32, %arg2: memref<100001x128xf32, #tpu.memory_space<hbm>>, %arg3: memref<100001xf32, #tpu.memory_space<hbm>>, %arg4: memref<32x50x128xi32, #tpu.memory_space<hbm>>, %arg5: memref<50x4096x128xf32, #tpu.memory_space<hbm>>, %arg6: memref<32x50x128xf32, #tpu.memory_space<hbm>>, %arg7: memref<50x128xi32, #tpu.memory_space<vmem>>, %arg8: memref<6x128x128xf32, #tpu.memory_space<vmem>>, %arg9: memref<50x128xf32, #tpu.memory_space<vmem>>, %arg10: memref<!tpu.dma_semaphore, #tpu.memory_space<semaphore_mem>>, %arg11: memref<!tpu.dma_semaphore, #tpu.memory_space<semaphore_mem>>, %arg12: memref<!tpu.dma_semaphore, #tpu.memory_space<semaphore_mem>>) attributes {dimension_semantics = [#tpu.dimension_semantics<core_parallel>, #tpu.dimension_semantics<subcore_parallel>], iteration_bounds = array<i64: 2, 16>, scalar_prefetch = 0 : i64, scratch_operands = 6 : i64, tpu.core_type = #tpu.core_type<sc_vector_subcore>, window_params = [{transform_indices = #map}, {transform_indices = #map1}, {transform_indices = #map2}, {transform_indices = #map2}, {transform_indices = #map2}]} {
    %mul3A = arith.constant 2 : i32
    %mul3A_0 = arith.muli %arg1, %mul3A : i32
    %add3A = arith.addi %mul3A_0, %arg0 : i32
    %mul3A_1 = arith.constant 128 : i32
    %mul3A_2 = arith.muli %add3A, %mul3A_1 : i32
    "tpu.region"() ({
      %run_scoped3A = tpu.sem_alloc : memref<!tpu.dma_semaphore, #tpu.memory_space<semaphore_mem>>
      %dma_start3A_646 = arith.constant 0 : i32
      %dma_start3A_647 = arith.constant 0 : i32
      %dma_start3A_648 = tpu.memref_slice %arg4[%add3A, %dma_start3A_646, %dma_start3A_647] : memref<32x50x128xi32, #tpu.memory_space<hbm>> -> memref<1x50x128xi32, #tpu.memory_space<hbm>>
      %dma_start3A_649 = tpu.memref_squeeze %dma_start3A_648 : memref<1x50x128xi32, #tpu.memory_space<hbm>> -> memref<50x128xi32, #tpu.memory_space<hbm>>
      %dma_start3A_650 = arith.constant 0 : i32
      %dma_start3A_651 = arith.constant 0 : i32
      %dma_start3A_652 = tpu.memref_slice %arg4[%add3A, %dma_start3A_650, %dma_start3A_651] : memref<32x50x128xi32, #tpu.memory_space<hbm>> -> memref<1x50x128xi32, #tpu.memory_space<hbm>>
      %dma_start3A_653 = tpu.memref_squeeze %dma_start3A_652 : memref<1x50x128xi32, #tpu.memory_space<hbm>> -> memref<50x128xi32, #tpu.memory_space<hbm>>
      tpu.enqueue_dma source(%dma_start3A_653 : memref<50x128xi32, #tpu.memory_space<hbm>>) target(%arg7 : memref<50x128xi32, #tpu.memory_space<vmem>>) target_semaphore(%run_scoped3A : memref<!tpu.dma_semaphore, #tpu.memory_space<semaphore_mem>>)
      %dma_wait3A_654 = arith.constant 0 : i32
      %dma_wait3A_655 = arith.constant 0 : i32
      %dma_wait3A_656 = tpu.memref_slice %arg4[%add3A, %dma_wait3A_654, %dma_wait3A_655] : memref<32x50x128xi32, #tpu.memory_space<hbm>> -> memref<1x50x128xi32, #tpu.memory_space<hbm>>
      %dma_wait3A_657 = tpu.memref_squeeze %dma_wait3A_656 : memref<1x50x128xi32, #tpu.memory_space<hbm>> -> memref<50x128xi32, #tpu.memory_space<hbm>>
      %dma_wait3A_658 = arith.constant 0 : i32
      %dma_wait3A_659 = arith.constant 0 : i32
      %dma_wait3A_660 = tpu.memref_slice %arg4[%add3A, %dma_wait3A_658, %dma_wait3A_659] : memref<32x50x128xi32, #tpu.memory_space<hbm>> -> memref<1x50x128xi32, #tpu.memory_space<hbm>>
      %dma_wait3A_661 = tpu.memref_squeeze %dma_wait3A_660 : memref<1x50x128xi32, #tpu.memory_space<hbm>> -> memref<50x128xi32, #tpu.memory_space<hbm>>
      tpu.wait_dma2 semaphore(%run_scoped3A : memref<!tpu.dma_semaphore, #tpu.memory_space<semaphore_mem>>) src(%dma_wait3A_661 : memref<50x128xi32, #tpu.memory_space<hbm>>) dst(%arg7 : memref<50x128xi32, #tpu.memory_space<vmem>>)
      tpu.yield
    }) : () -> ()
    %dma_start3A = arith.constant 0 : i32
    %dma_start3A_3 = arith.constant 0 : i32
    %dma_start3A_4 = arith.constant 0 : i32
    %dma_start3A_5 = arith.constant 0 : i32
    %dma_start3A_6 = tpu.memref_slice %arg8[%dma_start3A_3, %dma_start3A_4, %dma_start3A_5] : memref<6x128x128xf32, #tpu.memory_space<vmem>> -> memref<1x128x128xf32, #tpu.memory_space<vmem>>
    %dma_start3A_7 = tpu.memref_squeeze %dma_start3A_6 : memref<1x128x128xf32, #tpu.memory_space<vmem>> -> memref<128x128xf32, #tpu.memory_space<vmem>>
    %dma_start3A_8 = arith.constant 0 : i32
    %dma_start3A_9 = tpu.memref_slice %arg7[%dma_start3A, %dma_start3A_8] : memref<50x128xi32, #tpu.memory_space<vmem>> -> memref<1x128xi32, #tpu.memory_space<vmem>>
    %dma_start3A_10 = tpu.memref_squeeze %dma_start3A_9 : memref<1x128xi32, #tpu.memory_space<vmem>> -> memref<128xi32, #tpu.memory_space<vmem>>
    %dma_start3A_11 = arith.constant 0 : i32
    %dma_start3A_12 = arith.constant 0 : i32
    %dma_start3A_13 = tpu.memref_slice %arg2[%dma_start3A_11, %dma_start3A_12] : memref<100001x128xf32, #tpu.memory_space<hbm>> -> memref<100001x128xf32, #tpu.memory_space<hbm>>
    tpu.enqueue_indirect_dma source(%dma_start3A_13 : memref<100001x128xf32, #tpu.memory_space<hbm>>) target(%dma_start3A_7 : memref<128x128xf32, #tpu.memory_space<vmem>>) offsets(%dma_start3A_10 : memref<128xi32, #tpu.memory_space<vmem>>) semaphore(%arg10 : memref<!tpu.dma_semaphore, #tpu.memory_space<semaphore_mem>>)
    %dma_start3A_14 = arith.constant 1 : i32
    %dma_start3A_15 = arith.constant 1 : i32
    %dma_start3A_16 = arith.constant 0 : i32
    %dma_start3A_17 = arith.constant 0 : i32
    %dma_start3A_18 = tpu.memref_slice %arg8[%dma_start3A_15, %dma_start3A_16, %dma_start3A_17] : memref<6x128x128xf32, #tpu.memory_space<vmem>> -> memref<1x128x128xf32, #tpu.memory_space<vmem>>
    %dma_start3A_19 = tpu.memref_squeeze %dma_start3A_18 : memref<1x128x128xf32, #tpu.memory_space<vmem>> -> memref<128x128xf32, #tpu.memory_space<vmem>>
    %dma_start3A_20 = arith.constant 0 : i32
    %dma_start3A_21 = tpu.memref_slice %arg7[%dma_start3A_14, %dma_start3A_20] : memref<50x128xi32, #tpu.memory_space<vmem>> -> memref<1x128xi32, #tpu.memory_space<vmem>>
    %dma_start3A_22 = tpu.memref_squeeze %dma_start3A_21 : memref<1x128xi32, #tpu.memory_space<vmem>> -> memref<128xi32, #tpu.memory_space<vmem>>
    %dma_start3A_23 = arith.constant 0 : i32
    %dma_start3A_24 = arith.constant 0 : i32
    %dma_start3A_25 = tpu.memref_slice %arg2[%dma_start3A_23, %dma_start3A_24] : memref<100001x128xf32, #tpu.memory_space<hbm>> -> memref<100001x128xf32, #tpu.memory_space<hbm>>
    tpu.enqueue_indirect_dma source(%dma_start3A_25 : memref<100001x128xf32, #tpu.memory_space<hbm>>) target(%dma_start3A_19 : memref<128x128xf32, #tpu.memory_space<vmem>>) offsets(%dma_start3A_22 : memref<128xi32, #tpu.memory_space<vmem>>) semaphore(%arg10 : memref<!tpu.dma_semaphore, #tpu.memory_space<semaphore_mem>>)
    %dma_start3A_26 = arith.constant 2 : i32
    %dma_start3A_27 = arith.constant 2 : i32
    %dma_start3A_28 = arith.constant 0 : i32
    %dma_start3A_29 = arith.constant 0 : i32
    %dma_start3A_30 = tpu.memref_slice %arg8[%dma_start3A_27, %dma_start3A_28, %dma_start3A_29] : memref<6x128x128xf32, #tpu.memory_space<vmem>> -> memref<1x128x128xf32, #tpu.memory_space<vmem>>
    %dma_start3A_31 = tpu.memref_squeeze %dma_start3A_30 : memref<1x128x128xf32, #tpu.memory_space<vmem>> -> memref<128x128xf32, #tpu.memory_space<vmem>>
    %dma_start3A_32 = arith.constant 0 : i32
    %dma_start3A_33 = tpu.memref_slice %arg7[%dma_start3A_26, %dma_start3A_32] : memref<50x128xi32, #tpu.memory_space<vmem>> -> memref<1x128xi32, #tpu.memory_space<vmem>>
    %dma_start3A_34 = tpu.memref_squeeze %dma_start3A_33 : memref<1x128xi32, #tpu.memory_space<vmem>> -> memref<128xi32, #tpu.memory_space<vmem>>
    %dma_start3A_35 = arith.constant 0 : i32
    %dma_start3A_36 = arith.constant 0 : i32
    %dma_start3A_37 = tpu.memref_slice %arg2[%dma_start3A_35, %dma_start3A_36] : memref<100001x128xf32, #tpu.memory_space<hbm>> -> memref<100001x128xf32, #tpu.memory_space<hbm>>
    tpu.enqueue_indirect_dma source(%dma_start3A_37 : memref<100001x128xf32, #tpu.memory_space<hbm>>) target(%dma_start3A_31 : memref<128x128xf32, #tpu.memory_space<vmem>>) offsets(%dma_start3A_34 : memref<128xi32, #tpu.memory_space<vmem>>) semaphore(%arg10 : memref<!tpu.dma_semaphore, #tpu.memory_space<semaphore_mem>>)
    %scan3A = arith.constant 0 : i32
    %scan3A_38 = arith.constant 0 : i32
    %scan3A_39 = arith.constant 50 : i32
    %scan3A_40 = arith.addi %scan3A_38, %scan3A_39 : i32
    %scan3A_41 = arith.constant 1 : i32
    scf.for %scan3A_646 = %scan3A_38 to %scan3A_40 step %scan3A_41  : i32 {
      %rem3A = arith.constant 6 : i32
      %rem3A_647 = arith.remsi %scan3A_646, %rem3A : i32
      %dma_start3A_648 = arith.constant 0 : i32
      %dma_start3A_649 = tpu.memref_slice %arg9[%scan3A_646, %dma_start3A_648] : memref<50x128xf32, #tpu.memory_space<vmem>> -> memref<1x128xf32, #tpu.memory_space<vmem>>
      %dma_start3A_650 = tpu.memref_squeeze %dma_start3A_649 : memref<1x128xf32, #tpu.memory_space<vmem>> -> memref<128xf32, #tpu.memory_space<vmem>>
      %dma_start3A_651 = arith.constant 0 : i32
      %dma_start3A_652 = tpu.memref_slice %arg7[%scan3A_646, %dma_start3A_651] : memref<50x128xi32, #tpu.memory_space<vmem>> -> memref<1x128xi32, #tpu.memory_space<vmem>>
      %dma_start3A_653 = tpu.memref_squeeze %dma_start3A_652 : memref<1x128xi32, #tpu.memory_space<vmem>> -> memref<128xi32, #tpu.memory_space<vmem>>
      %dma_start3A_654 = arith.constant 0 : i32
      %dma_start3A_655 = tpu.memref_slice %arg3[%dma_start3A_654] : memref<100001xf32, #tpu.memory_space<hbm>> -> memref<100001xf32, #tpu.memory_space<hbm>>
      tpu.enqueue_indirect_dma source(%dma_start3A_655 : memref<100001xf32, #tpu.memory_space<hbm>>) target(%dma_start3A_650 : memref<128xf32, #tpu.memory_space<vmem>>) offsets(%dma_start3A_653 : memref<128xi32, #tpu.memory_space<vmem>>) semaphore(%arg11 : memref<!tpu.dma_semaphore, #tpu.memory_space<semaphore_mem>>)
      %dma_wait3A_656 = arith.constant 0 : i32
      %dma_wait3A_657 = arith.constant 0 : i32
      %dma_wait3A_658 = tpu.memref_slice %arg8[%rem3A_647, %dma_wait3A_656, %dma_wait3A_657] : memref<6x128x128xf32, #tpu.memory_space<vmem>> -> memref<1x128x128xf32, #tpu.memory_space<vmem>>
      %dma_wait3A_659 = tpu.memref_squeeze %dma_wait3A_658 : memref<1x128x128xf32, #tpu.memory_space<vmem>> -> memref<128x128xf32, #tpu.memory_space<vmem>>
      %dma_wait3A_660 = arith.constant 0 : i32
      %dma_wait3A_661 = arith.constant 0 : i32
      %dma_wait3A_662 = tpu.memref_slice %arg2[%dma_wait3A_660, %dma_wait3A_661] : memref<100001x128xf32, #tpu.memory_space<hbm>> -> memref<128x128xf32, #tpu.memory_space<hbm>>
      %dma_wait3A_663 = arith.constant 0 : i32
      %dma_wait3A_664 = arith.constant 0 : i32
      %dma_wait3A_665 = tpu.memref_slice %arg8[%rem3A_647, %dma_wait3A_663, %dma_wait3A_664] : memref<6x128x128xf32, #tpu.memory_space<vmem>> -> memref<1x128x128xf32, #tpu.memory_space<vmem>>
      %dma_wait3A_666 = tpu.memref_squeeze %dma_wait3A_665 : memref<1x128x128xf32, #tpu.memory_space<vmem>> -> memref<128x128xf32, #tpu.memory_space<vmem>>
      %dma_wait3A_667 = arith.constant 0 : i32
      %dma_wait3A_668 = arith.constant 0 : i32
      %dma_wait3A_669 = tpu.memref_slice %arg2[%dma_wait3A_667, %dma_wait3A_668] : memref<100001x128xf32, #tpu.memory_space<hbm>> -> memref<128x128xf32, #tpu.memory_space<hbm>>
      tpu.wait_dma2 semaphore(%arg10 : memref<!tpu.dma_semaphore, #tpu.memory_space<semaphore_mem>>) src(%dma_wait3A_669 : memref<128x128xf32, #tpu.memory_space<hbm>>) dst(%dma_wait3A_666 : memref<128x128xf32, #tpu.memory_space<vmem>>)
      %dma_start3A_670 = arith.constant 0 : i32
      %dma_start3A_671 = arith.constant 0 : i32
      %dma_start3A_672 = tpu.memref_slice %arg8[%rem3A_647, %dma_start3A_670, %dma_start3A_671] : memref<6x128x128xf32, #tpu.memory_space<vmem>> -> memref<1x128x128xf32, #tpu.memory_space<vmem>>
      %dma_start3A_673 = tpu.memref_squeeze %dma_start3A_672 : memref<1x128x128xf32, #tpu.memory_space<vmem>> -> memref<128x128xf32, #tpu.memory_space<vmem>>
      %dma_start3A_674 = arith.constant 0 : i32
      %dma_start3A_675 = tpu.memref_slice %arg5[%scan3A_646, %mul3A_2, %dma_start3A_674] : memref<50x4096x128xf32, #tpu.memory_space<hbm>> -> memref<1x128x128xf32, #tpu.memory_space<hbm>>
      %dma_start3A_676 = tpu.memref_squeeze %dma_start3A_675 : memref<1x128x128xf32, #tpu.memory_space<hbm>> -> memref<128x128xf32, #tpu.memory_space<hbm>>
      %dma_start3A_677 = arith.constant 0 : i32
      %dma_start3A_678 = tpu.memref_slice %arg5[%scan3A_646, %mul3A_2, %dma_start3A_677] : memref<50x4096x128xf32, #tpu.memory_space<hbm>> -> memref<1x128x128xf32, #tpu.memory_space<hbm>>
      %dma_start3A_679 = tpu.memref_squeeze %dma_start3A_678 : memref<1x128x128xf32, #tpu.memory_space<hbm>> -> memref<128x128xf32, #tpu.memory_space<hbm>>
      %dma_start3A_680 = arith.constant 0 : i32
      %dma_start3A_681 = arith.constant 0 : i32
      %dma_start3A_682 = tpu.memref_slice %arg8[%rem3A_647, %dma_start3A_680, %dma_start3A_681] : memref<6x128x128xf32, #tpu.memory_space<vmem>> -> memref<1x128x128xf32, #tpu.memory_space<vmem>>
      %dma_start3A_683 = tpu.memref_squeeze %dma_start3A_682 : memref<1x128x128xf32, #tpu.memory_space<vmem>> -> memref<128x128xf32, #tpu.memory_space<vmem>>
      tpu.enqueue_dma source(%dma_start3A_683 : memref<128x128xf32, #tpu.memory_space<vmem>>) target(%dma_start3A_679 : memref<128x128xf32, #tpu.memory_space<hbm>>) target_semaphore(%arg12 : memref<!tpu.dma_semaphore, #tpu.memory_space<semaphore_mem>>)
      %ge3A = arith.constant 3 : i32
      %ge3A_684 = arith.cmpi sge, %scan3A_646, %ge3A : i32
      %convert_element_type3A = arith.extui %ge3A_684 : i1 to i32
      %cond3A = arith.constant 0 : i32
      %cond3A_685 = arith.cmpi ne, %convert_element_type3A, %cond3A : i32
      scf.if %cond3A_685 {
        %dma_wait3A_692 = arith.constant 0 : i32
        %dma_wait3A_693 = arith.constant 0 : i32
        %dma_wait3A_694 = arith.constant 0 : i32
        %dma_wait3A_695 = arith.constant 0 : i32
        %dma_wait3A_696 = tpu.memref_slice %arg8[%dma_wait3A_692, %dma_wait3A_694, %dma_wait3A_695] : memref<6x128x128xf32, #tpu.memory_space<vmem>> -> memref<1x128x128xf32, #tpu.memory_space<vmem>>
        %dma_wait3A_697 = tpu.memref_squeeze %dma_wait3A_696 : memref<1x128x128xf32, #tpu.memory_space<vmem>> -> memref<128x128xf32, #tpu.memory_space<vmem>>
        %dma_wait3A_698 = arith.constant 0 : i32
        %dma_wait3A_699 = arith.constant 0 : i32
        %dma_wait3A_700 = tpu.memref_slice %arg5[%dma_wait3A_693, %dma_wait3A_698, %dma_wait3A_699] : memref<50x4096x128xf32, #tpu.memory_space<hbm>> -> memref<1x128x128xf32, #tpu.memory_space<hbm>>
        %dma_wait3A_701 = tpu.memref_squeeze %dma_wait3A_700 : memref<1x128x128xf32, #tpu.memory_space<hbm>> -> memref<128x128xf32, #tpu.memory_space<hbm>>
        %dma_wait3A_702 = arith.constant 0 : i32
        %dma_wait3A_703 = arith.constant 0 : i32
        %dma_wait3A_704 = tpu.memref_slice %arg5[%dma_wait3A_693, %dma_wait3A_702, %dma_wait3A_703] : memref<50x4096x128xf32, #tpu.memory_space<hbm>> -> memref<1x128x128xf32, #tpu.memory_space<hbm>>
        %dma_wait3A_705 = tpu.memref_squeeze %dma_wait3A_704 : memref<1x128x128xf32, #tpu.memory_space<hbm>> -> memref<128x128xf32, #tpu.memory_space<hbm>>
        %dma_wait3A_706 = arith.constant 0 : i32
        %dma_wait3A_707 = arith.constant 0 : i32
        %dma_wait3A_708 = tpu.memref_slice %arg8[%dma_wait3A_692, %dma_wait3A_706, %dma_wait3A_707] : memref<6x128x128xf32, #tpu.memory_space<vmem>> -> memref<1x128x128xf32, #tpu.memory_space<vmem>>
        %dma_wait3A_709 = tpu.memref_squeeze %dma_wait3A_708 : memref<1x128x128xf32, #tpu.memory_space<vmem>> -> memref<128x128xf32, #tpu.memory_space<vmem>>
        tpu.wait_dma2 semaphore(%arg12 : memref<!tpu.dma_semaphore, #tpu.memory_space<semaphore_mem>>) src(%dma_wait3A_709 : memref<128x128xf32, #tpu.memory_space<vmem>>) dst(%dma_wait3A_705 : memref<128x128xf32, #tpu.memory_space<hbm>>)
      } else {
      }
      %add3A_686 = arith.constant 3 : i32
      %add3A_687 = arith.addi %scan3A_646, %add3A_686 : i32
      %lt3A = arith.constant 50 : i32
      %lt3A_688 = arith.cmpi slt, %add3A_687, %lt3A : i32
      %convert_element_type3A_689 = arith.extui %lt3A_688 : i1 to i32
      %cond3A_690 = arith.constant 0 : i32
      %cond3A_691 = arith.cmpi ne, %convert_element_type3A_689, %cond3A_690 : i32
      scf.if %cond3A_691 {
        %rem3A_692 = arith.constant 6 : i32
        %rem3A_693 = arith.remsi %add3A_687, %rem3A_692 : i32
        %dma_start3A_694 = arith.constant 0 : i32
        %dma_start3A_695 = arith.constant 0 : i32
        %dma_start3A_696 = tpu.memref_slice %arg8[%rem3A_693, %dma_start3A_694, %dma_start3A_695] : memref<6x128x128xf32, #tpu.memory_space<vmem>> -> memref<1x128x128xf32, #tpu.memory_space<vmem>>
        %dma_start3A_697 = tpu.memref_squeeze %dma_start3A_696 : memref<1x128x128xf32, #tpu.memory_space<vmem>> -> memref<128x128xf32, #tpu.memory_space<vmem>>
        %dma_start3A_698 = arith.constant 0 : i32
        %dma_start3A_699 = tpu.memref_slice %arg7[%add3A_687, %dma_start3A_698] : memref<50x128xi32, #tpu.memory_space<vmem>> -> memref<1x128xi32, #tpu.memory_space<vmem>>
        %dma_start3A_700 = tpu.memref_squeeze %dma_start3A_699 : memref<1x128xi32, #tpu.memory_space<vmem>> -> memref<128xi32, #tpu.memory_space<vmem>>
        %dma_start3A_701 = arith.constant 0 : i32
        %dma_start3A_702 = arith.constant 0 : i32
        %dma_start3A_703 = tpu.memref_slice %arg2[%dma_start3A_701, %dma_start3A_702] : memref<100001x128xf32, #tpu.memory_space<hbm>> -> memref<100001x128xf32, #tpu.memory_space<hbm>>
        tpu.enqueue_indirect_dma source(%dma_start3A_703 : memref<100001x128xf32, #tpu.memory_space<hbm>>) target(%dma_start3A_697 : memref<128x128xf32, #tpu.memory_space<vmem>>) offsets(%dma_start3A_700 : memref<128xi32, #tpu.memory_space<vmem>>) semaphore(%arg10 : memref<!tpu.dma_semaphore, #tpu.memory_space<semaphore_mem>>)
      } else {
      }
    }
    %scan3A_42 = arith.constant 50 : i32
    %dma_wait3A = arith.constant 0 : i32
    %dma_wait3A_43 = arith.constant 0 : i32
    %dma_wait3A_44 = arith.constant 0 : i32
    %dma_wait3A_45 = arith.constant 0 : i32
    %dma_wait3A_46 = tpu.memref_slice %arg8[%dma_wait3A, %dma_wait3A_44, %dma_wait3A_45] : memref<6x128x128xf32, #tpu.memory_space<vmem>> -> memref<1x128x128xf32, #tpu.memory_space<vmem>>
    %dma_wait3A_47 = tpu.memref_squeeze %dma_wait3A_46 : memref<1x128x128xf32, #tpu.memory_space<vmem>> -> memref<128x128xf32, #tpu.memory_space<vmem>>
    %dma_wait3A_48 = arith.constant 0 : i32
    %dma_wait3A_49 = arith.constant 0 : i32
    %dma_wait3A_50 = tpu.memref_slice %arg5[%dma_wait3A_43, %dma_wait3A_48, %dma_wait3A_49] : memref<50x4096x128xf32, #tpu.memory_space<hbm>> -> memref<1x128x128xf32, #tpu.memory_space<hbm>>
    %dma_wait3A_51 = tpu.memref_squeeze %dma_wait3A_50 : memref<1x128x128xf32, #tpu.memory_space<hbm>> -> memref<128x128xf32, #tpu.memory_space<hbm>>
    %dma_wait3A_52 = arith.constant 0 : i32
    %dma_wait3A_53 = arith.constant 0 : i32
    %dma_wait3A_54 = tpu.memref_slice %arg5[%dma_wait3A_43, %dma_wait3A_52, %dma_wait3A_53] : memref<50x4096x128xf32, #tpu.memory_space<hbm>> -> memref<1x128x128xf32, #tpu.memory_space<hbm>>
    %dma_wait3A_55 = tpu.memref_squeeze %dma_wait3A_54 : memref<1x128x128xf32, #tpu.memory_space<hbm>> -> memref<128x128xf32, #tpu.memory_space<hbm>>
    %dma_wait3A_56 = arith.constant 0 : i32
    %dma_wait3A_57 = arith.constant 0 : i32
    %dma_wait3A_58 = tpu.memref_slice %arg8[%dma_wait3A, %dma_wait3A_56, %dma_wait3A_57] : memref<6x128x128xf32, #tpu.memory_space<vmem>> -> memref<1x128x128xf32, #tpu.memory_space<vmem>>
    %dma_wait3A_59 = tpu.memref_squeeze %dma_wait3A_58 : memref<1x128x128xf32, #tpu.memory_space<vmem>> -> memref<128x128xf32, #tpu.memory_space<vmem>>
    tpu.wait_dma2 semaphore(%arg12 : memref<!tpu.dma_semaphore, #tpu.memory_space<semaphore_mem>>) src(%dma_wait3A_59 : memref<128x128xf32, #tpu.memory_space<vmem>>) dst(%dma_wait3A_55 : memref<128x128xf32, #tpu.memory_space<hbm>>)
    %dma_wait3A_60 = arith.constant 0 : i32
    %dma_wait3A_61 = arith.constant 0 : i32
    %dma_wait3A_62 = arith.constant 0 : i32
    %dma_wait3A_63 = arith.constant 0 : i32
    %dma_wait3A_64 = tpu.memref_slice %arg8[%dma_wait3A_60, %dma_wait3A_62, %dma_wait3A_63] : memref<6x128x128xf32, #tpu.memory_space<vmem>> -> memref<1x128x128xf32, #tpu.memory_space<vmem>>
    %dma_wait3A_65 = tpu.memref_squeeze %dma_wait3A_64 : memref<1x128x128xf32, #tpu.memory_space<vmem>> -> memref<128x128xf32, #tpu.memory_space<vmem>>
    %dma_wait3A_66 = arith.constant 0 : i32
    %dma_wait3A_67 = arith.constant 0 : i32
    %dma_wait3A_68 = tpu.memref_slice %arg5[%dma_wait3A_61, %dma_wait3A_66, %dma_wait3A_67] : memref<50x4096x128xf32, #tpu.memory_space<hbm>> -> memref<1x128x128xf32, #tpu.memory_space<hbm>>
    %dma_wait3A_69 = tpu.memref_squeeze %dma_wait3A_68 : memref<1x128x128xf32, #tpu.memory_space<hbm>> -> memref<128x128xf32, #tpu.memory_space<hbm>>
    %dma_wait3A_70 = arith.constant 0 : i32
    %dma_wait3A_71 = arith.constant 0 : i32
    %dma_wait3A_72 = tpu.memref_slice %arg5[%dma_wait3A_61, %dma_wait3A_70, %dma_wait3A_71] : memref<50x4096x128xf32, #tpu.memory_space<hbm>> -> memref<1x128x128xf32, #tpu.memory_space<hbm>>
    %dma_wait3A_73 = tpu.memref_squeeze %dma_wait3A_72 : memref<1x128x128xf32, #tpu.memory_space<hbm>> -> memref<128x128xf32, #tpu.memory_space<hbm>>
    %dma_wait3A_74 = arith.constant 0 : i32
    %dma_wait3A_75 = arith.constant 0 : i32
    %dma_wait3A_76 = tpu.memref_slice %arg8[%dma_wait3A_60, %dma_wait3A_74, %dma_wait3A_75] : memref<6x128x128xf32, #tpu.memory_space<vmem>> -> memref<1x128x128xf32, #tpu.memory_space<vmem>>
    %dma_wait3A_77 = tpu.memref_squeeze %dma_wait3A_76 : memref<1x128x128xf32, #tpu.memory_space<vmem>> -> memref<128x128xf32, #tpu.memory_space<vmem>>
    tpu.wait_dma2 semaphore(%arg12 : memref<!tpu.dma_semaphore, #tpu.memory_space<semaphore_mem>>) src(%dma_wait3A_77 : memref<128x128xf32, #tpu.memory_space<vmem>>) dst(%dma_wait3A_73 : memref<128x128xf32, #tpu.memory_space<hbm>>)
    %dma_wait3A_78 = arith.constant 0 : i32
    %dma_wait3A_79 = arith.constant 0 : i32
    %dma_wait3A_80 = arith.constant 0 : i32
    %dma_wait3A_81 = arith.constant 0 : i32
    %dma_wait3A_82 = tpu.memref_slice %arg8[%dma_wait3A_78, %dma_wait3A_80, %dma_wait3A_81] : memref<6x128x128xf32, #tpu.memory_space<vmem>> -> memref<1x128x128xf32, #tpu.memory_space<vmem>>
    %dma_wait3A_83 = tpu.memref_squeeze %dma_wait3A_82 : memref<1x128x128xf32, #tpu.memory_space<vmem>> -> memref<128x128xf32, #tpu.memory_space<vmem>>
    %dma_wait3A_84 = arith.constant 0 : i32
    %dma_wait3A_85 = arith.constant 0 : i32
    %dma_wait3A_86 = tpu.memref_slice %arg5[%dma_wait3A_79, %dma_wait3A_84, %dma_wait3A_85] : memref<50x4096x128xf32, #tpu.memory_space<hbm>> -> memref<1x128x128xf32, #tpu.memory_space<hbm>>
    %dma_wait3A_87 = tpu.memref_squeeze %dma_wait3A_86 : memref<1x128x128xf32, #tpu.memory_space<hbm>> -> memref<128x128xf32, #tpu.memory_space<hbm>>
    %dma_wait3A_88 = arith.constant 0 : i32
    %dma_wait3A_89 = arith.constant 0 : i32
    %dma_wait3A_90 = tpu.memref_slice %arg5[%dma_wait3A_79, %dma_wait3A_88, %dma_wait3A_89] : memref<50x4096x128xf32, #tpu.memory_space<hbm>> -> memref<1x128x128xf32, #tpu.memory_space<hbm>>
    %dma_wait3A_91 = tpu.memref_squeeze %dma_wait3A_90 : memref<1x128x128xf32, #tpu.memory_space<hbm>> -> memref<128x128xf32, #tpu.memory_space<hbm>>
    %dma_wait3A_92 = arith.constant 0 : i32
    %dma_wait3A_93 = arith.constant 0 : i32
    %dma_wait3A_94 = tpu.memref_slice %arg8[%dma_wait3A_78, %dma_wait3A_92, %dma_wait3A_93] : memref<6x128x128xf32, #tpu.memory_space<vmem>> -> memref<1x128x128xf32, #tpu.memory_space<vmem>>
    %dma_wait3A_95 = tpu.memref_squeeze %dma_wait3A_94 : memref<1x128x128xf32, #tpu.memory_space<vmem>> -> memref<128x128xf32, #tpu.memory_space<vmem>>
    tpu.wait_dma2 semaphore(%arg12 : memref<!tpu.dma_semaphore, #tpu.memory_space<semaphore_mem>>) src(%dma_wait3A_95 : memref<128x128xf32, #tpu.memory_space<vmem>>) dst(%dma_wait3A_91 : memref<128x128xf32, #tpu.memory_space<hbm>>)
    %dma_wait3A_96 = arith.constant 0 : i32
    %dma_wait3A_97 = arith.constant 0 : i32
    %dma_wait3A_98 = tpu.memref_slice %arg9[%dma_wait3A_96, %dma_wait3A_97] : memref<50x128xf32, #tpu.memory_space<vmem>> -> memref<1x128xf32, #tpu.memory_space<vmem>>
    %dma_wait3A_99 = tpu.memref_squeeze %dma_wait3A_98 : memref<1x128xf32, #tpu.memory_space<vmem>> -> memref<128xf32, #tpu.memory_space<vmem>>
    %dma_wait3A_100 = arith.constant 0 : i32
    %dma_wait3A_101 = tpu.memref_slice %arg3[%dma_wait3A_100] : memref<100001xf32, #tpu.memory_space<hbm>> -> memref<128xf32, #tpu.memory_space<hbm>>
    %dma_wait3A_102 = arith.constant 0 : i32
    %dma_wait3A_103 = tpu.memref_slice %arg9[%dma_wait3A_96, %dma_wait3A_102] : memref<50x128xf32, #tpu.memory_space<vmem>> -> memref<1x128xf32, #tpu.memory_space<vmem>>
    %dma_wait3A_104 = tpu.memref_squeeze %dma_wait3A_103 : memref<1x128xf32, #tpu.memory_space<vmem>> -> memref<128xf32, #tpu.memory_space<vmem>>
    %dma_wait3A_105 = arith.constant 0 : i32
    %dma_wait3A_106 = tpu.memref_slice %arg3[%dma_wait3A_105] : memref<100001xf32, #tpu.memory_space<hbm>> -> memref<128xf32, #tpu.memory_space<hbm>>
    tpu.wait_dma2 semaphore(%arg11 : memref<!tpu.dma_semaphore, #tpu.memory_space<semaphore_mem>>) src(%dma_wait3A_106 : memref<128xf32, #tpu.memory_space<hbm>>) dst(%dma_wait3A_104 : memref<128xf32, #tpu.memory_space<vmem>>)
    %dma_wait3A_107 = arith.constant 0 : i32
    %dma_wait3A_108 = arith.constant 0 : i32
    %dma_wait3A_109 = tpu.memref_slice %arg9[%dma_wait3A_107, %dma_wait3A_108] : memref<50x128xf32, #tpu.memory_space<vmem>> -> memref<1x128xf32, #tpu.memory_space<vmem>>
    %dma_wait3A_110 = tpu.memref_squeeze %dma_wait3A_109 : memref<1x128xf32, #tpu.memory_space<vmem>> -> memref<128xf32, #tpu.memory_space<vmem>>
    %dma_wait3A_111 = arith.constant 0 : i32
    %dma_wait3A_112 = tpu.memref_slice %arg3[%dma_wait3A_111] : memref<100001xf32, #tpu.memory_space<hbm>> -> memref<128xf32, #tpu.memory_space<hbm>>
    %dma_wait3A_113 = arith.constant 0 : i32
    %dma_wait3A_114 = tpu.memref_slice %arg9[%dma_wait3A_107, %dma_wait3A_113] : memref<50x128xf32, #tpu.memory_space<vmem>> -> memref<1x128xf32, #tpu.memory_space<vmem>>
    %dma_wait3A_115 = tpu.memref_squeeze %dma_wait3A_114 : memref<1x128xf32, #tpu.memory_space<vmem>> -> memref<128xf32, #tpu.memory_space<vmem>>
    %dma_wait3A_116 = arith.constant 0 : i32
    %dma_wait3A_117 = tpu.memref_slice %arg3[%dma_wait3A_116] : memref<100001xf32, #tpu.memory_space<hbm>> -> memref<128xf32, #tpu.memory_space<hbm>>
    tpu.wait_dma2 semaphore(%arg11 : memref<!tpu.dma_semaphore, #tpu.memory_space<semaphore_mem>>) src(%dma_wait3A_117 : memref<128xf32, #tpu.memory_space<hbm>>) dst(%dma_wait3A_115 : memref<128xf32, #tpu.memory_space<vmem>>)
    %dma_wait3A_118 = arith.constant 0 : i32
    %dma_wait3A_119 = arith.constant 0 : i32
    %dma_wait3A_120 = tpu.memref_slice %arg9[%dma_wait3A_118, %dma_wait3A_119] : memref<50x128xf32, #tpu.memory_space<vmem>> -> memref<1x128xf32, #tpu.memory_space<vmem>>
    %dma_wait3A_121 = tpu.memref_squeeze %dma_wait3A_120 : memref<1x128xf32, #tpu.memory_space<vmem>> -> memref<128xf32, #tpu.memory_space<vmem>>
    %dma_wait3A_122 = arith.constant 0 : i32
    %dma_wait3A_123 = tpu.memref_slice %arg3[%dma_wait3A_122] : memref<100001xf32, #tpu.memory_space<hbm>> -> memref<128xf32, #tpu.memory_space<hbm>>
    %dma_wait3A_124 = arith.constant 0 : i32
    %dma_wait3A_125 = tpu.memref_slice %arg9[%dma_wait3A_118, %dma_wait3A_124] : memref<50x128xf32, #tpu.memory_space<vmem>> -> memref<1x128xf32, #tpu.memory_space<vmem>>
    %dma_wait3A_126 = tpu.memref_squeeze %dma_wait3A_125 : memref<1x128xf32, #tpu.memory_space<vmem>> -> memref<128xf32, #tpu.memory_space<vmem>>
    %dma_wait3A_127 = arith.constant 0 : i32
    %dma_wait3A_128 = tpu.memref_slice %arg3[%dma_wait3A_127] : memref<100001xf32, #tpu.memory_space<hbm>> -> memref<128xf32, #tpu.memory_space<hbm>>
    tpu.wait_dma2 semaphore(%arg11 : memref<!tpu.dma_semaphore, #tpu.memory_space<semaphore_mem>>) src(%dma_wait3A_128 : memref<128xf32, #tpu.memory_space<hbm>>) dst(%dma_wait3A_126 : memref<128xf32, #tpu.memory_space<vmem>>)
    %dma_wait3A_129 = arith.constant 0 : i32
    %dma_wait3A_130 = arith.constant 0 : i32
    %dma_wait3A_131 = tpu.memref_slice %arg9[%dma_wait3A_129, %dma_wait3A_130] : memref<50x128xf32, #tpu.memory_space<vmem>> -> memref<1x128xf32, #tpu.memory_space<vmem>>
    %dma_wait3A_132 = tpu.memref_squeeze %dma_wait3A_131 : memref<1x128xf32, #tpu.memory_space<vmem>> -> memref<128xf32, #tpu.memory_space<vmem>>
    %dma_wait3A_133 = arith.constant 0 : i32
    %dma_wait3A_134 = tpu.memref_slice %arg3[%dma_wait3A_133] : memref<100001xf32, #tpu.memory_space<hbm>> -> memref<128xf32, #tpu.memory_space<hbm>>
    %dma_wait3A_135 = arith.constant 0 : i32
    %dma_wait3A_136 = tpu.memref_slice %arg9[%dma_wait3A_129, %dma_wait3A_135] : memref<50x128xf32, #tpu.memory_space<vmem>> -> memref<1x128xf32, #tpu.memory_space<vmem>>
    %dma_wait3A_137 = tpu.memref_squeeze %dma_wait3A_136 : memref<1x128xf32, #tpu.memory_space<vmem>> -> memref<128xf32, #tpu.memory_space<vmem>>
    %dma_wait3A_138 = arith.constant 0 : i32
    %dma_wait3A_139 = tpu.memref_slice %arg3[%dma_wait3A_138] : memref<100001xf32, #tpu.memory_space<hbm>> -> memref<128xf32, #tpu.memory_space<hbm>>
    tpu.wait_dma2 semaphore(%arg11 : memref<!tpu.dma_semaphore, #tpu.memory_space<semaphore_mem>>) src(%dma_wait3A_139 : memref<128xf32, #tpu.memory_space<hbm>>) dst(%dma_wait3A_137 : memref<128xf32, #tpu.memory_space<vmem>>)
    %dma_wait3A_140 = arith.constant 0 : i32
    %dma_wait3A_141 = arith.constant 0 : i32
    %dma_wait3A_142 = tpu.memref_slice %arg9[%dma_wait3A_140, %dma_wait3A_141] : memref<50x128xf32, #tpu.memory_space<vmem>> -> memref<1x128xf32, #tpu.memory_space<vmem>>
    %dma_wait3A_143 = tpu.memref_squeeze %dma_wait3A_142 : memref<1x128xf32, #tpu.memory_space<vmem>> -> memref<128xf32, #tpu.memory_space<vmem>>
    %dma_wait3A_144 = arith.constant 0 : i32
    %dma_wait3A_145 = tpu.memref_slice %arg3[%dma_wait3A_144] : memref<100001xf32, #tpu.memory_space<hbm>> -> memref<128xf32, #tpu.memory_space<hbm>>
    %dma_wait3A_146 = arith.constant 0 : i32
    %dma_wait3A_147 = tpu.memref_slice %arg9[%dma_wait3A_140, %dma_wait3A_146] : memref<50x128xf32, #tpu.memory_space<vmem>> -> memref<1x128xf32, #tpu.memory_space<vmem>>
    %dma_wait3A_148 = tpu.memref_squeeze %dma_wait3A_147 : memref<1x128xf32, #tpu.memory_space<vmem>> -> memref<128xf32, #tpu.memory_space<vmem>>
    %dma_wait3A_149 = arith.constant 0 : i32
    %dma_wait3A_150 = tpu.memref_slice %arg3[%dma_wait3A_149] : memref<100001xf32, #tpu.memory_space<hbm>> -> memref<128xf32, #tpu.memory_space<hbm>>
    tpu.wait_dma2 semaphore(%arg11 : memref<!tpu.dma_semaphore, #tpu.memory_space<semaphore_mem>>) src(%dma_wait3A_150 : memref<128xf32, #tpu.memory_space<hbm>>) dst(%dma_wait3A_148 : memref<128xf32, #tpu.memory_space<vmem>>)
    %dma_wait3A_151 = arith.constant 0 : i32
    %dma_wait3A_152 = arith.constant 0 : i32
    %dma_wait3A_153 = tpu.memref_slice %arg9[%dma_wait3A_151, %dma_wait3A_152] : memref<50x128xf32, #tpu.memory_space<vmem>> -> memref<1x128xf32, #tpu.memory_space<vmem>>
    %dma_wait3A_154 = tpu.memref_squeeze %dma_wait3A_153 : memref<1x128xf32, #tpu.memory_space<vmem>> -> memref<128xf32, #tpu.memory_space<vmem>>
    %dma_wait3A_155 = arith.constant 0 : i32
    %dma_wait3A_156 = tpu.memref_slice %arg3[%dma_wait3A_155] : memref<100001xf32, #tpu.memory_space<hbm>> -> memref<128xf32, #tpu.memory_space<hbm>>
    %dma_wait3A_157 = arith.constant 0 : i32
    %dma_wait3A_158 = tpu.memref_slice %arg9[%dma_wait3A_151, %dma_wait3A_157] : memref<50x128xf32, #tpu.memory_space<vmem>> -> memref<1x128xf32, #tpu.memory_space<vmem>>
    %dma_wait3A_159 = tpu.memref_squeeze %dma_wait3A_158 : memref<1x128xf32, #tpu.memory_space<vmem>> -> memref<128xf32, #tpu.memory_space<vmem>>
    %dma_wait3A_160 = arith.constant 0 : i32
    %dma_wait3A_161 = tpu.memref_slice %arg3[%dma_wait3A_160] : memref<100001xf32, #tpu.memory_space<hbm>> -> memref<128xf32, #tpu.memory_space<hbm>>
    tpu.wait_dma2 semaphore(%arg11 : memref<!tpu.dma_semaphore, #tpu.memory_space<semaphore_mem>>) src(%dma_wait3A_161 : memref<128xf32, #tpu.memory_space<hbm>>) dst(%dma_wait3A_159 : memref<128xf32, #tpu.memory_space<vmem>>)
    %dma_wait3A_162 = arith.constant 0 : i32
    %dma_wait3A_163 = arith.constant 0 : i32
    %dma_wait3A_164 = tpu.memref_slice %arg9[%dma_wait3A_162, %dma_wait3A_163] : memref<50x128xf32, #tpu.memory_space<vmem>> -> memref<1x128xf32, #tpu.memory_space<vmem>>
    %dma_wait3A_165 = tpu.memref_squeeze %dma_wait3A_164 : memref<1x128xf32, #tpu.memory_space<vmem>> -> memref<128xf32, #tpu.memory_space<vmem>>
    %dma_wait3A_166 = arith.constant 0 : i32
    %dma_wait3A_167 = tpu.memref_slice %arg3[%dma_wait3A_166] : memref<100001xf32, #tpu.memory_space<hbm>> -> memref<128xf32, #tpu.memory_space<hbm>>
    %dma_wait3A_168 = arith.constant 0 : i32
    %dma_wait3A_169 = tpu.memref_slice %arg9[%dma_wait3A_162, %dma_wait3A_168] : memref<50x128xf32, #tpu.memory_space<vmem>> -> memref<1x128xf32, #tpu.memory_space<vmem>>
    %dma_wait3A_170 = tpu.memref_squeeze %dma_wait3A_169 : memref<1x128xf32, #tpu.memory_space<vmem>> -> memref<128xf32, #tpu.memory_space<vmem>>
    %dma_wait3A_171 = arith.constant 0 : i32
    %dma_wait3A_172 = tpu.memref_slice %arg3[%dma_wait3A_171] : memref<100001xf32, #tpu.memory_space<hbm>> -> memref<128xf32, #tpu.memory_space<hbm>>
    tpu.wait_dma2 semaphore(%arg11 : memref<!tpu.dma_semaphore, #tpu.memory_space<semaphore_mem>>) src(%dma_wait3A_172 : memref<128xf32, #tpu.memory_space<hbm>>) dst(%dma_wait3A_170 : memref<128xf32, #tpu.memory_space<vmem>>)
    %dma_wait3A_173 = arith.constant 0 : i32
    %dma_wait3A_174 = arith.constant 0 : i32
    %dma_wait3A_175 = tpu.memref_slice %arg9[%dma_wait3A_173, %dma_wait3A_174] : memref<50x128xf32, #tpu.memory_space<vmem>> -> memref<1x128xf32, #tpu.memory_space<vmem>>
    %dma_wait3A_176 = tpu.memref_squeeze %dma_wait3A_175 : memref<1x128xf32, #tpu.memory_space<vmem>> -> memref<128xf32, #tpu.memory_space<vmem>>
    %dma_wait3A_177 = arith.constant 0 : i32
    %dma_wait3A_178 = tpu.memref_slice %arg3[%dma_wait3A_177] : memref<100001xf32, #tpu.memory_space<hbm>> -> memref<128xf32, #tpu.memory_space<hbm>>
    %dma_wait3A_179 = arith.constant 0 : i32
    %dma_wait3A_180 = tpu.memref_slice %arg9[%dma_wait3A_173, %dma_wait3A_179] : memref<50x128xf32, #tpu.memory_space<vmem>> -> memref<1x128xf32, #tpu.memory_space<vmem>>
    %dma_wait3A_181 = tpu.memref_squeeze %dma_wait3A_180 : memref<1x128xf32, #tpu.memory_space<vmem>> -> memref<128xf32, #tpu.memory_space<vmem>>
    %dma_wait3A_182 = arith.constant 0 : i32
    %dma_wait3A_183 = tpu.memref_slice %arg3[%dma_wait3A_182] : memref<100001xf32, #tpu.memory_space<hbm>> -> memref<128xf32, #tpu.memory_space<hbm>>
    tpu.wait_dma2 semaphore(%arg11 : memref<!tpu.dma_semaphore, #tpu.memory_space<semaphore_mem>>) src(%dma_wait3A_183 : memref<128xf32, #tpu.memory_space<hbm>>) dst(%dma_wait3A_181 : memref<128xf32, #tpu.memory_space<vmem>>)
    %dma_wait3A_184 = arith.constant 0 : i32
    %dma_wait3A_185 = arith.constant 0 : i32
    %dma_wait3A_186 = tpu.memref_slice %arg9[%dma_wait3A_184, %dma_wait3A_185] : memref<50x128xf32, #tpu.memory_space<vmem>> -> memref<1x128xf32, #tpu.memory_space<vmem>>
    %dma_wait3A_187 = tpu.memref_squeeze %dma_wait3A_186 : memref<1x128xf32, #tpu.memory_space<vmem>> -> memref<128xf32, #tpu.memory_space<vmem>>
    %dma_wait3A_188 = arith.constant 0 : i32
    %dma_wait3A_189 = tpu.memref_slice %arg3[%dma_wait3A_188] : memref<100001xf32, #tpu.memory_space<hbm>> -> memref<128xf32, #tpu.memory_space<hbm>>
    %dma_wait3A_190 = arith.constant 0 : i32
    %dma_wait3A_191 = tpu.memref_slice %arg9[%dma_wait3A_184, %dma_wait3A_190] : memref<50x128xf32, #tpu.memory_space<vmem>> -> memref<1x128xf32, #tpu.memory_space<vmem>>
    %dma_wait3A_192 = tpu.memref_squeeze %dma_wait3A_191 : memref<1x128xf32, #tpu.memory_space<vmem>> -> memref<128xf32, #tpu.memory_space<vmem>>
    %dma_wait3A_193 = arith.constant 0 : i32
    %dma_wait3A_194 = tpu.memref_slice %arg3[%dma_wait3A_193] : memref<100001xf32, #tpu.memory_space<hbm>> -> memref<128xf32, #tpu.memory_space<hbm>>
    tpu.wait_dma2 semaphore(%arg11 : memref<!tpu.dma_semaphore, #tpu.memory_space<semaphore_mem>>) src(%dma_wait3A_194 : memref<128xf32, #tpu.memory_space<hbm>>) dst(%dma_wait3A_192 : memref<128xf32, #tpu.memory_space<vmem>>)
    %dma_wait3A_195 = arith.constant 0 : i32
    %dma_wait3A_196 = arith.constant 0 : i32
    %dma_wait3A_197 = tpu.memref_slice %arg9[%dma_wait3A_195, %dma_wait3A_196] : memref<50x128xf32, #tpu.memory_space<vmem>> -> memref<1x128xf32, #tpu.memory_space<vmem>>
    %dma_wait3A_198 = tpu.memref_squeeze %dma_wait3A_197 : memref<1x128xf32, #tpu.memory_space<vmem>> -> memref<128xf32, #tpu.memory_space<vmem>>
    %dma_wait3A_199 = arith.constant 0 : i32
    %dma_wait3A_200 = tpu.memref_slice %arg3[%dma_wait3A_199] : memref<100001xf32, #tpu.memory_space<hbm>> -> memref<128xf32, #tpu.memory_space<hbm>>
    %dma_wait3A_201 = arith.constant 0 : i32
    %dma_wait3A_202 = tpu.memref_slice %arg9[%dma_wait3A_195, %dma_wait3A_201] : memref<50x128xf32, #tpu.memory_space<vmem>> -> memref<1x128xf32, #tpu.memory_space<vmem>>
    %dma_wait3A_203 = tpu.memref_squeeze %dma_wait3A_202 : memref<1x128xf32, #tpu.memory_space<vmem>> -> memref<128xf32, #tpu.memory_space<vmem>>
    %dma_wait3A_204 = arith.constant 0 : i32
    %dma_wait3A_205 = tpu.memref_slice %arg3[%dma_wait3A_204] : memref<100001xf32, #tpu.memory_space<hbm>> -> memref<128xf32, #tpu.memory_space<hbm>>
    tpu.wait_dma2 semaphore(%arg11 : memref<!tpu.dma_semaphore, #tpu.memory_space<semaphore_mem>>) src(%dma_wait3A_205 : memref<128xf32, #tpu.memory_space<hbm>>) dst(%dma_wait3A_203 : memref<128xf32, #tpu.memory_space<vmem>>)
    %dma_wait3A_206 = arith.constant 0 : i32
    %dma_wait3A_207 = arith.constant 0 : i32
    %dma_wait3A_208 = tpu.memref_slice %arg9[%dma_wait3A_206, %dma_wait3A_207] : memref<50x128xf32, #tpu.memory_space<vmem>> -> memref<1x128xf32, #tpu.memory_space<vmem>>
    %dma_wait3A_209 = tpu.memref_squeeze %dma_wait3A_208 : memref<1x128xf32, #tpu.memory_space<vmem>> -> memref<128xf32, #tpu.memory_space<vmem>>
    %dma_wait3A_210 = arith.constant 0 : i32
    %dma_wait3A_211 = tpu.memref_slice %arg3[%dma_wait3A_210] : memref<100001xf32, #tpu.memory_space<hbm>> -> memref<128xf32, #tpu.memory_space<hbm>>
    %dma_wait3A_212 = arith.constant 0 : i32
    %dma_wait3A_213 = tpu.memref_slice %arg9[%dma_wait3A_206, %dma_wait3A_212] : memref<50x128xf32, #tpu.memory_space<vmem>> -> memref<1x128xf32, #tpu.memory_space<vmem>>
    %dma_wait3A_214 = tpu.memref_squeeze %dma_wait3A_213 : memref<1x128xf32, #tpu.memory_space<vmem>> -> memref<128xf32, #tpu.memory_space<vmem>>
    %dma_wait3A_215 = arith.constant 0 : i32
    %dma_wait3A_216 = tpu.memref_slice %arg3[%dma_wait3A_215] : memref<100001xf32, #tpu.memory_space<hbm>> -> memref<128xf32, #tpu.memory_space<hbm>>
    tpu.wait_dma2 semaphore(%arg11 : memref<!tpu.dma_semaphore, #tpu.memory_space<semaphore_mem>>) src(%dma_wait3A_216 : memref<128xf32, #tpu.memory_space<hbm>>) dst(%dma_wait3A_214 : memref<128xf32, #tpu.memory_space<vmem>>)
    %dma_wait3A_217 = arith.constant 0 : i32
    %dma_wait3A_218 = arith.constant 0 : i32
    %dma_wait3A_219 = tpu.memref_slice %arg9[%dma_wait3A_217, %dma_wait3A_218] : memref<50x128xf32, #tpu.memory_space<vmem>> -> memref<1x128xf32, #tpu.memory_space<vmem>>
    %dma_wait3A_220 = tpu.memref_squeeze %dma_wait3A_219 : memref<1x128xf32, #tpu.memory_space<vmem>> -> memref<128xf32, #tpu.memory_space<vmem>>
    %dma_wait3A_221 = arith.constant 0 : i32
    %dma_wait3A_222 = tpu.memref_slice %arg3[%dma_wait3A_221] : memref<100001xf32, #tpu.memory_space<hbm>> -> memref<128xf32, #tpu.memory_space<hbm>>
    %dma_wait3A_223 = arith.constant 0 : i32
    %dma_wait3A_224 = tpu.memref_slice %arg9[%dma_wait3A_217, %dma_wait3A_223] : memref<50x128xf32, #tpu.memory_space<vmem>> -> memref<1x128xf32, #tpu.memory_space<vmem>>
    %dma_wait3A_225 = tpu.memref_squeeze %dma_wait3A_224 : memref<1x128xf32, #tpu.memory_space<vmem>> -> memref<128xf32, #tpu.memory_space<vmem>>
    %dma_wait3A_226 = arith.constant 0 : i32
    %dma_wait3A_227 = tpu.memref_slice %arg3[%dma_wait3A_226] : memref<100001xf32, #tpu.memory_space<hbm>> -> memref<128xf32, #tpu.memory_space<hbm>>
    tpu.wait_dma2 semaphore(%arg11 : memref<!tpu.dma_semaphore, #tpu.memory_space<semaphore_mem>>) src(%dma_wait3A_227 : memref<128xf32, #tpu.memory_space<hbm>>) dst(%dma_wait3A_225 : memref<128xf32, #tpu.memory_space<vmem>>)
    %dma_wait3A_228 = arith.constant 0 : i32
    %dma_wait3A_229 = arith.constant 0 : i32
    %dma_wait3A_230 = tpu.memref_slice %arg9[%dma_wait3A_228, %dma_wait3A_229] : memref<50x128xf32, #tpu.memory_space<vmem>> -> memref<1x128xf32, #tpu.memory_space<vmem>>
    %dma_wait3A_231 = tpu.memref_squeeze %dma_wait3A_230 : memref<1x128xf32, #tpu.memory_space<vmem>> -> memref<128xf32, #tpu.memory_space<vmem>>
    %dma_wait3A_232 = arith.constant 0 : i32
    %dma_wait3A_233 = tpu.memref_slice %arg3[%dma_wait3A_232] : memref<100001xf32, #tpu.memory_space<hbm>> -> memref<128xf32, #tpu.memory_space<hbm>>
    %dma_wait3A_234 = arith.constant 0 : i32
    %dma_wait3A_235 = tpu.memref_slice %arg9[%dma_wait3A_228, %dma_wait3A_234] : memref<50x128xf32, #tpu.memory_space<vmem>> -> memref<1x128xf32, #tpu.memory_space<vmem>>
    %dma_wait3A_236 = tpu.memref_squeeze %dma_wait3A_235 : memref<1x128xf32, #tpu.memory_space<vmem>> -> memref<128xf32, #tpu.memory_space<vmem>>
    %dma_wait3A_237 = arith.constant 0 : i32
    %dma_wait3A_238 = tpu.memref_slice %arg3[%dma_wait3A_237] : memref<100001xf32, #tpu.memory_space<hbm>> -> memref<128xf32, #tpu.memory_space<hbm>>
    tpu.wait_dma2 semaphore(%arg11 : memref<!tpu.dma_semaphore, #tpu.memory_space<semaphore_mem>>) src(%dma_wait3A_238 : memref<128xf32, #tpu.memory_space<hbm>>) dst(%dma_wait3A_236 : memref<128xf32, #tpu.memory_space<vmem>>)
    %dma_wait3A_239 = arith.constant 0 : i32
    %dma_wait3A_240 = arith.constant 0 : i32
    %dma_wait3A_241 = tpu.memref_slice %arg9[%dma_wait3A_239, %dma_wait3A_240] : memref<50x128xf32, #tpu.memory_space<vmem>> -> memref<1x128xf32, #tpu.memory_space<vmem>>
    %dma_wait3A_242 = tpu.memref_squeeze %dma_wait3A_241 : memref<1x128xf32, #tpu.memory_space<vmem>> -> memref<128xf32, #tpu.memory_space<vmem>>
    %dma_wait3A_243 = arith.constant 0 : i32
    %dma_wait3A_244 = tpu.memref_slice %arg3[%dma_wait3A_243] : memref<100001xf32, #tpu.memory_space<hbm>> -> memref<128xf32, #tpu.memory_space<hbm>>
    %dma_wait3A_245 = arith.constant 0 : i32
    %dma_wait3A_246 = tpu.memref_slice %arg9[%dma_wait3A_239, %dma_wait3A_245] : memref<50x128xf32, #tpu.memory_space<vmem>> -> memref<1x128xf32, #tpu.memory_space<vmem>>
    %dma_wait3A_247 = tpu.memref_squeeze %dma_wait3A_246 : memref<1x128xf32, #tpu.memory_space<vmem>> -> memref<128xf32, #tpu.memory_space<vmem>>
    %dma_wait3A_248 = arith.constant 0 : i32
    %dma_wait3A_249 = tpu.memref_slice %arg3[%dma_wait3A_248] : memref<100001xf32, #tpu.memory_space<hbm>> -> memref<128xf32, #tpu.memory_space<hbm>>
    tpu.wait_dma2 semaphore(%arg11 : memref<!tpu.dma_semaphore, #tpu.memory_space<semaphore_mem>>) src(%dma_wait3A_249 : memref<128xf32, #tpu.memory_space<hbm>>) dst(%dma_wait3A_247 : memref<128xf32, #tpu.memory_space<vmem>>)
    %dma_wait3A_250 = arith.constant 0 : i32
    %dma_wait3A_251 = arith.constant 0 : i32
    %dma_wait3A_252 = tpu.memref_slice %arg9[%dma_wait3A_250, %dma_wait3A_251] : memref<50x128xf32, #tpu.memory_space<vmem>> -> memref<1x128xf32, #tpu.memory_space<vmem>>
    %dma_wait3A_253 = tpu.memref_squeeze %dma_wait3A_252 : memref<1x128xf32, #tpu.memory_space<vmem>> -> memref<128xf32, #tpu.memory_space<vmem>>
    %dma_wait3A_254 = arith.constant 0 : i32
    %dma_wait3A_255 = tpu.memref_slice %arg3[%dma_wait3A_254] : memref<100001xf32, #tpu.memory_space<hbm>> -> memref<128xf32, #tpu.memory_space<hbm>>
    %dma_wait3A_256 = arith.constant 0 : i32
    %dma_wait3A_257 = tpu.memref_slice %arg9[%dma_wait3A_250, %dma_wait3A_256] : memref<50x128xf32, #tpu.memory_space<vmem>> -> memref<1x128xf32, #tpu.memory_space<vmem>>
    %dma_wait3A_258 = tpu.memref_squeeze %dma_wait3A_257 : memref<1x128xf32, #tpu.memory_space<vmem>> -> memref<128xf32, #tpu.memory_space<vmem>>
    %dma_wait3A_259 = arith.constant 0 : i32
    %dma_wait3A_260 = tpu.memref_slice %arg3[%dma_wait3A_259] : memref<100001xf32, #tpu.memory_space<hbm>> -> memref<128xf32, #tpu.memory_space<hbm>>
    tpu.wait_dma2 semaphore(%arg11 : memref<!tpu.dma_semaphore, #tpu.memory_space<semaphore_mem>>) src(%dma_wait3A_260 : memref<128xf32, #tpu.memory_space<hbm>>) dst(%dma_wait3A_258 : memref<128xf32, #tpu.memory_space<vmem>>)
    %dma_wait3A_261 = arith.constant 0 : i32
    %dma_wait3A_262 = arith.constant 0 : i32
    %dma_wait3A_263 = tpu.memref_slice %arg9[%dma_wait3A_261, %dma_wait3A_262] : memref<50x128xf32, #tpu.memory_space<vmem>> -> memref<1x128xf32, #tpu.memory_space<vmem>>
    %dma_wait3A_264 = tpu.memref_squeeze %dma_wait3A_263 : memref<1x128xf32, #tpu.memory_space<vmem>> -> memref<128xf32, #tpu.memory_space<vmem>>
    %dma_wait3A_265 = arith.constant 0 : i32
    %dma_wait3A_266 = tpu.memref_slice %arg3[%dma_wait3A_265] : memref<100001xf32, #tpu.memory_space<hbm>> -> memref<128xf32, #tpu.memory_space<hbm>>
    %dma_wait3A_267 = arith.constant 0 : i32
    %dma_wait3A_268 = tpu.memref_slice %arg9[%dma_wait3A_261, %dma_wait3A_267] : memref<50x128xf32, #tpu.memory_space<vmem>> -> memref<1x128xf32, #tpu.memory_space<vmem>>
    %dma_wait3A_269 = tpu.memref_squeeze %dma_wait3A_268 : memref<1x128xf32, #tpu.memory_space<vmem>> -> memref<128xf32, #tpu.memory_space<vmem>>
    %dma_wait3A_270 = arith.constant 0 : i32
    %dma_wait3A_271 = tpu.memref_slice %arg3[%dma_wait3A_270] : memref<100001xf32, #tpu.memory_space<hbm>> -> memref<128xf32, #tpu.memory_space<hbm>>
    tpu.wait_dma2 semaphore(%arg11 : memref<!tpu.dma_semaphore, #tpu.memory_space<semaphore_mem>>) src(%dma_wait3A_271 : memref<128xf32, #tpu.memory_space<hbm>>) dst(%dma_wait3A_269 : memref<128xf32, #tpu.memory_space<vmem>>)
    %dma_wait3A_272 = arith.constant 0 : i32
    %dma_wait3A_273 = arith.constant 0 : i32
    %dma_wait3A_274 = tpu.memref_slice %arg9[%dma_wait3A_272, %dma_wait3A_273] : memref<50x128xf32, #tpu.memory_space<vmem>> -> memref<1x128xf32, #tpu.memory_space<vmem>>
    %dma_wait3A_275 = tpu.memref_squeeze %dma_wait3A_274 : memref<1x128xf32, #tpu.memory_space<vmem>> -> memref<128xf32, #tpu.memory_space<vmem>>
    %dma_wait3A_276 = arith.constant 0 : i32
    %dma_wait3A_277 = tpu.memref_slice %arg3[%dma_wait3A_276] : memref<100001xf32, #tpu.memory_space<hbm>> -> memref<128xf32, #tpu.memory_space<hbm>>
    %dma_wait3A_278 = arith.constant 0 : i32
    %dma_wait3A_279 = tpu.memref_slice %arg9[%dma_wait3A_272, %dma_wait3A_278] : memref<50x128xf32, #tpu.memory_space<vmem>> -> memref<1x128xf32, #tpu.memory_space<vmem>>
    %dma_wait3A_280 = tpu.memref_squeeze %dma_wait3A_279 : memref<1x128xf32, #tpu.memory_space<vmem>> -> memref<128xf32, #tpu.memory_space<vmem>>
    %dma_wait3A_281 = arith.constant 0 : i32
    %dma_wait3A_282 = tpu.memref_slice %arg3[%dma_wait3A_281] : memref<100001xf32, #tpu.memory_space<hbm>> -> memref<128xf32, #tpu.memory_space<hbm>>
    tpu.wait_dma2 semaphore(%arg11 : memref<!tpu.dma_semaphore, #tpu.memory_space<semaphore_mem>>) src(%dma_wait3A_282 : memref<128xf32, #tpu.memory_space<hbm>>) dst(%dma_wait3A_280 : memref<128xf32, #tpu.memory_space<vmem>>)
    %dma_wait3A_283 = arith.constant 0 : i32
    %dma_wait3A_284 = arith.constant 0 : i32
    %dma_wait3A_285 = tpu.memref_slice %arg9[%dma_wait3A_283, %dma_wait3A_284] : memref<50x128xf32, #tpu.memory_space<vmem>> -> memref<1x128xf32, #tpu.memory_space<vmem>>
    %dma_wait3A_286 = tpu.memref_squeeze %dma_wait3A_285 : memref<1x128xf32, #tpu.memory_space<vmem>> -> memref<128xf32, #tpu.memory_space<vmem>>
    %dma_wait3A_287 = arith.constant 0 : i32
    %dma_wait3A_288 = tpu.memref_slice %arg3[%dma_wait3A_287] : memref<100001xf32, #tpu.memory_space<hbm>> -> memref<128xf32, #tpu.memory_space<hbm>>
    %dma_wait3A_289 = arith.constant 0 : i32
    %dma_wait3A_290 = tpu.memref_slice %arg9[%dma_wait3A_283, %dma_wait3A_289] : memref<50x128xf32, #tpu.memory_space<vmem>> -> memref<1x128xf32, #tpu.memory_space<vmem>>
    %dma_wait3A_291 = tpu.memref_squeeze %dma_wait3A_290 : memref<1x128xf32, #tpu.memory_space<vmem>> -> memref<128xf32, #tpu.memory_space<vmem>>
    %dma_wait3A_292 = arith.constant 0 : i32
    %dma_wait3A_293 = tpu.memref_slice %arg3[%dma_wait3A_292] : memref<100001xf32, #tpu.memory_space<hbm>> -> memref<128xf32, #tpu.memory_space<hbm>>
    tpu.wait_dma2 semaphore(%arg11 : memref<!tpu.dma_semaphore, #tpu.memory_space<semaphore_mem>>) src(%dma_wait3A_293 : memref<128xf32, #tpu.memory_space<hbm>>) dst(%dma_wait3A_291 : memref<128xf32, #tpu.memory_space<vmem>>)
    %dma_wait3A_294 = arith.constant 0 : i32
    %dma_wait3A_295 = arith.constant 0 : i32
    %dma_wait3A_296 = tpu.memref_slice %arg9[%dma_wait3A_294, %dma_wait3A_295] : memref<50x128xf32, #tpu.memory_space<vmem>> -> memref<1x128xf32, #tpu.memory_space<vmem>>
    %dma_wait3A_297 = tpu.memref_squeeze %dma_wait3A_296 : memref<1x128xf32, #tpu.memory_space<vmem>> -> memref<128xf32, #tpu.memory_space<vmem>>
    %dma_wait3A_298 = arith.constant 0 : i32
    %dma_wait3A_299 = tpu.memref_slice %arg3[%dma_wait3A_298] : memref<100001xf32, #tpu.memory_space<hbm>> -> memref<128xf32, #tpu.memory_space<hbm>>
    %dma_wait3A_300 = arith.constant 0 : i32
    %dma_wait3A_301 = tpu.memref_slice %arg9[%dma_wait3A_294, %dma_wait3A_300] : memref<50x128xf32, #tpu.memory_space<vmem>> -> memref<1x128xf32, #tpu.memory_space<vmem>>
    %dma_wait3A_302 = tpu.memref_squeeze %dma_wait3A_301 : memref<1x128xf32, #tpu.memory_space<vmem>> -> memref<128xf32, #tpu.memory_space<vmem>>
    %dma_wait3A_303 = arith.constant 0 : i32
    %dma_wait3A_304 = tpu.memref_slice %arg3[%dma_wait3A_303] : memref<100001xf32, #tpu.memory_space<hbm>> -> memref<128xf32, #tpu.memory_space<hbm>>
    tpu.wait_dma2 semaphore(%arg11 : memref<!tpu.dma_semaphore, #tpu.memory_space<semaphore_mem>>) src(%dma_wait3A_304 : memref<128xf32, #tpu.memory_space<hbm>>) dst(%dma_wait3A_302 : memref<128xf32, #tpu.memory_space<vmem>>)
    %dma_wait3A_305 = arith.constant 0 : i32
    %dma_wait3A_306 = arith.constant 0 : i32
    %dma_wait3A_307 = tpu.memref_slice %arg9[%dma_wait3A_305, %dma_wait3A_306] : memref<50x128xf32, #tpu.memory_space<vmem>> -> memref<1x128xf32, #tpu.memory_space<vmem>>
    %dma_wait3A_308 = tpu.memref_squeeze %dma_wait3A_307 : memref<1x128xf32, #tpu.memory_space<vmem>> -> memref<128xf32, #tpu.memory_space<vmem>>
    %dma_wait3A_309 = arith.constant 0 : i32
    %dma_wait3A_310 = tpu.memref_slice %arg3[%dma_wait3A_309] : memref<100001xf32, #tpu.memory_space<hbm>> -> memref<128xf32, #tpu.memory_space<hbm>>
    %dma_wait3A_311 = arith.constant 0 : i32
    %dma_wait3A_312 = tpu.memref_slice %arg9[%dma_wait3A_305, %dma_wait3A_311] : memref<50x128xf32, #tpu.memory_space<vmem>> -> memref<1x128xf32, #tpu.memory_space<vmem>>
    %dma_wait3A_313 = tpu.memref_squeeze %dma_wait3A_312 : memref<1x128xf32, #tpu.memory_space<vmem>> -> memref<128xf32, #tpu.memory_space<vmem>>
    %dma_wait3A_314 = arith.constant 0 : i32
    %dma_wait3A_315 = tpu.memref_slice %arg3[%dma_wait3A_314] : memref<100001xf32, #tpu.memory_space<hbm>> -> memref<128xf32, #tpu.memory_space<hbm>>
    tpu.wait_dma2 semaphore(%arg11 : memref<!tpu.dma_semaphore, #tpu.memory_space<semaphore_mem>>) src(%dma_wait3A_315 : memref<128xf32, #tpu.memory_space<hbm>>) dst(%dma_wait3A_313 : memref<128xf32, #tpu.memory_space<vmem>>)
    %dma_wait3A_316 = arith.constant 0 : i32
    %dma_wait3A_317 = arith.constant 0 : i32
    %dma_wait3A_318 = tpu.memref_slice %arg9[%dma_wait3A_316, %dma_wait3A_317] : memref<50x128xf32, #tpu.memory_space<vmem>> -> memref<1x128xf32, #tpu.memory_space<vmem>>
    %dma_wait3A_319 = tpu.memref_squeeze %dma_wait3A_318 : memref<1x128xf32, #tpu.memory_space<vmem>> -> memref<128xf32, #tpu.memory_space<vmem>>
    %dma_wait3A_320 = arith.constant 0 : i32
    %dma_wait3A_321 = tpu.memref_slice %arg3[%dma_wait3A_320] : memref<100001xf32, #tpu.memory_space<hbm>> -> memref<128xf32, #tpu.memory_space<hbm>>
    %dma_wait3A_322 = arith.constant 0 : i32
    %dma_wait3A_323 = tpu.memref_slice %arg9[%dma_wait3A_316, %dma_wait3A_322] : memref<50x128xf32, #tpu.memory_space<vmem>> -> memref<1x128xf32, #tpu.memory_space<vmem>>
    %dma_wait3A_324 = tpu.memref_squeeze %dma_wait3A_323 : memref<1x128xf32, #tpu.memory_space<vmem>> -> memref<128xf32, #tpu.memory_space<vmem>>
    %dma_wait3A_325 = arith.constant 0 : i32
    %dma_wait3A_326 = tpu.memref_slice %arg3[%dma_wait3A_325] : memref<100001xf32, #tpu.memory_space<hbm>> -> memref<128xf32, #tpu.memory_space<hbm>>
    tpu.wait_dma2 semaphore(%arg11 : memref<!tpu.dma_semaphore, #tpu.memory_space<semaphore_mem>>) src(%dma_wait3A_326 : memref<128xf32, #tpu.memory_space<hbm>>) dst(%dma_wait3A_324 : memref<128xf32, #tpu.memory_space<vmem>>)
    %dma_wait3A_327 = arith.constant 0 : i32
    %dma_wait3A_328 = arith.constant 0 : i32
    %dma_wait3A_329 = tpu.memref_slice %arg9[%dma_wait3A_327, %dma_wait3A_328] : memref<50x128xf32, #tpu.memory_space<vmem>> -> memref<1x128xf32, #tpu.memory_space<vmem>>
    %dma_wait3A_330 = tpu.memref_squeeze %dma_wait3A_329 : memref<1x128xf32, #tpu.memory_space<vmem>> -> memref<128xf32, #tpu.memory_space<vmem>>
    %dma_wait3A_331 = arith.constant 0 : i32
    %dma_wait3A_332 = tpu.memref_slice %arg3[%dma_wait3A_331] : memref<100001xf32, #tpu.memory_space<hbm>> -> memref<128xf32, #tpu.memory_space<hbm>>
    %dma_wait3A_333 = arith.constant 0 : i32
    %dma_wait3A_334 = tpu.memref_slice %arg9[%dma_wait3A_327, %dma_wait3A_333] : memref<50x128xf32, #tpu.memory_space<vmem>> -> memref<1x128xf32, #tpu.memory_space<vmem>>
    %dma_wait3A_335 = tpu.memref_squeeze %dma_wait3A_334 : memref<1x128xf32, #tpu.memory_space<vmem>> -> memref<128xf32, #tpu.memory_space<vmem>>
    %dma_wait3A_336 = arith.constant 0 : i32
    %dma_wait3A_337 = tpu.memref_slice %arg3[%dma_wait3A_336] : memref<100001xf32, #tpu.memory_space<hbm>> -> memref<128xf32, #tpu.memory_space<hbm>>
    tpu.wait_dma2 semaphore(%arg11 : memref<!tpu.dma_semaphore, #tpu.memory_space<semaphore_mem>>) src(%dma_wait3A_337 : memref<128xf32, #tpu.memory_space<hbm>>) dst(%dma_wait3A_335 : memref<128xf32, #tpu.memory_space<vmem>>)
    %dma_wait3A_338 = arith.constant 0 : i32
    %dma_wait3A_339 = arith.constant 0 : i32
    %dma_wait3A_340 = tpu.memref_slice %arg9[%dma_wait3A_338, %dma_wait3A_339] : memref<50x128xf32, #tpu.memory_space<vmem>> -> memref<1x128xf32, #tpu.memory_space<vmem>>
    %dma_wait3A_341 = tpu.memref_squeeze %dma_wait3A_340 : memref<1x128xf32, #tpu.memory_space<vmem>> -> memref<128xf32, #tpu.memory_space<vmem>>
    %dma_wait3A_342 = arith.constant 0 : i32
    %dma_wait3A_343 = tpu.memref_slice %arg3[%dma_wait3A_342] : memref<100001xf32, #tpu.memory_space<hbm>> -> memref<128xf32, #tpu.memory_space<hbm>>
    %dma_wait3A_344 = arith.constant 0 : i32
    %dma_wait3A_345 = tpu.memref_slice %arg9[%dma_wait3A_338, %dma_wait3A_344] : memref<50x128xf32, #tpu.memory_space<vmem>> -> memref<1x128xf32, #tpu.memory_space<vmem>>
    %dma_wait3A_346 = tpu.memref_squeeze %dma_wait3A_345 : memref<1x128xf32, #tpu.memory_space<vmem>> -> memref<128xf32, #tpu.memory_space<vmem>>
    %dma_wait3A_347 = arith.constant 0 : i32
    %dma_wait3A_348 = tpu.memref_slice %arg3[%dma_wait3A_347] : memref<100001xf32, #tpu.memory_space<hbm>> -> memref<128xf32, #tpu.memory_space<hbm>>
    tpu.wait_dma2 semaphore(%arg11 : memref<!tpu.dma_semaphore, #tpu.memory_space<semaphore_mem>>) src(%dma_wait3A_348 : memref<128xf32, #tpu.memory_space<hbm>>) dst(%dma_wait3A_346 : memref<128xf32, #tpu.memory_space<vmem>>)
    %dma_wait3A_349 = arith.constant 0 : i32
    %dma_wait3A_350 = arith.constant 0 : i32
    %dma_wait3A_351 = tpu.memref_slice %arg9[%dma_wait3A_349, %dma_wait3A_350] : memref<50x128xf32, #tpu.memory_space<vmem>> -> memref<1x128xf32, #tpu.memory_space<vmem>>
    %dma_wait3A_352 = tpu.memref_squeeze %dma_wait3A_351 : memref<1x128xf32, #tpu.memory_space<vmem>> -> memref<128xf32, #tpu.memory_space<vmem>>
    %dma_wait3A_353 = arith.constant 0 : i32
    %dma_wait3A_354 = tpu.memref_slice %arg3[%dma_wait3A_353] : memref<100001xf32, #tpu.memory_space<hbm>> -> memref<128xf32, #tpu.memory_space<hbm>>
    %dma_wait3A_355 = arith.constant 0 : i32
    %dma_wait3A_356 = tpu.memref_slice %arg9[%dma_wait3A_349, %dma_wait3A_355] : memref<50x128xf32, #tpu.memory_space<vmem>> -> memref<1x128xf32, #tpu.memory_space<vmem>>
    %dma_wait3A_357 = tpu.memref_squeeze %dma_wait3A_356 : memref<1x128xf32, #tpu.memory_space<vmem>> -> memref<128xf32, #tpu.memory_space<vmem>>
    %dma_wait3A_358 = arith.constant 0 : i32
    %dma_wait3A_359 = tpu.memref_slice %arg3[%dma_wait3A_358] : memref<100001xf32, #tpu.memory_space<hbm>> -> memref<128xf32, #tpu.memory_space<hbm>>
    tpu.wait_dma2 semaphore(%arg11 : memref<!tpu.dma_semaphore, #tpu.memory_space<semaphore_mem>>) src(%dma_wait3A_359 : memref<128xf32, #tpu.memory_space<hbm>>) dst(%dma_wait3A_357 : memref<128xf32, #tpu.memory_space<vmem>>)
    %dma_wait3A_360 = arith.constant 0 : i32
    %dma_wait3A_361 = arith.constant 0 : i32
    %dma_wait3A_362 = tpu.memref_slice %arg9[%dma_wait3A_360, %dma_wait3A_361] : memref<50x128xf32, #tpu.memory_space<vmem>> -> memref<1x128xf32, #tpu.memory_space<vmem>>
    %dma_wait3A_363 = tpu.memref_squeeze %dma_wait3A_362 : memref<1x128xf32, #tpu.memory_space<vmem>> -> memref<128xf32, #tpu.memory_space<vmem>>
    %dma_wait3A_364 = arith.constant 0 : i32
    %dma_wait3A_365 = tpu.memref_slice %arg3[%dma_wait3A_364] : memref<100001xf32, #tpu.memory_space<hbm>> -> memref<128xf32, #tpu.memory_space<hbm>>
    %dma_wait3A_366 = arith.constant 0 : i32
    %dma_wait3A_367 = tpu.memref_slice %arg9[%dma_wait3A_360, %dma_wait3A_366] : memref<50x128xf32, #tpu.memory_space<vmem>> -> memref<1x128xf32, #tpu.memory_space<vmem>>
    %dma_wait3A_368 = tpu.memref_squeeze %dma_wait3A_367 : memref<1x128xf32, #tpu.memory_space<vmem>> -> memref<128xf32, #tpu.memory_space<vmem>>
    %dma_wait3A_369 = arith.constant 0 : i32
    %dma_wait3A_370 = tpu.memref_slice %arg3[%dma_wait3A_369] : memref<100001xf32, #tpu.memory_space<hbm>> -> memref<128xf32, #tpu.memory_space<hbm>>
    tpu.wait_dma2 semaphore(%arg11 : memref<!tpu.dma_semaphore, #tpu.memory_space<semaphore_mem>>) src(%dma_wait3A_370 : memref<128xf32, #tpu.memory_space<hbm>>) dst(%dma_wait3A_368 : memref<128xf32, #tpu.memory_space<vmem>>)
    %dma_wait3A_371 = arith.constant 0 : i32
    %dma_wait3A_372 = arith.constant 0 : i32
    %dma_wait3A_373 = tpu.memref_slice %arg9[%dma_wait3A_371, %dma_wait3A_372] : memref<50x128xf32, #tpu.memory_space<vmem>> -> memref<1x128xf32, #tpu.memory_space<vmem>>
    %dma_wait3A_374 = tpu.memref_squeeze %dma_wait3A_373 : memref<1x128xf32, #tpu.memory_space<vmem>> -> memref<128xf32, #tpu.memory_space<vmem>>
    %dma_wait3A_375 = arith.constant 0 : i32
    %dma_wait3A_376 = tpu.memref_slice %arg3[%dma_wait3A_375] : memref<100001xf32, #tpu.memory_space<hbm>> -> memref<128xf32, #tpu.memory_space<hbm>>
    %dma_wait3A_377 = arith.constant 0 : i32
    %dma_wait3A_378 = tpu.memref_slice %arg9[%dma_wait3A_371, %dma_wait3A_377] : memref<50x128xf32, #tpu.memory_space<vmem>> -> memref<1x128xf32, #tpu.memory_space<vmem>>
    %dma_wait3A_379 = tpu.memref_squeeze %dma_wait3A_378 : memref<1x128xf32, #tpu.memory_space<vmem>> -> memref<128xf32, #tpu.memory_space<vmem>>
    %dma_wait3A_380 = arith.constant 0 : i32
    %dma_wait3A_381 = tpu.memref_slice %arg3[%dma_wait3A_380] : memref<100001xf32, #tpu.memory_space<hbm>> -> memref<128xf32, #tpu.memory_space<hbm>>
    tpu.wait_dma2 semaphore(%arg11 : memref<!tpu.dma_semaphore, #tpu.memory_space<semaphore_mem>>) src(%dma_wait3A_381 : memref<128xf32, #tpu.memory_space<hbm>>) dst(%dma_wait3A_379 : memref<128xf32, #tpu.memory_space<vmem>>)
    %dma_wait3A_382 = arith.constant 0 : i32
    %dma_wait3A_383 = arith.constant 0 : i32
    %dma_wait3A_384 = tpu.memref_slice %arg9[%dma_wait3A_382, %dma_wait3A_383] : memref<50x128xf32, #tpu.memory_space<vmem>> -> memref<1x128xf32, #tpu.memory_space<vmem>>
    %dma_wait3A_385 = tpu.memref_squeeze %dma_wait3A_384 : memref<1x128xf32, #tpu.memory_space<vmem>> -> memref<128xf32, #tpu.memory_space<vmem>>
    %dma_wait3A_386 = arith.constant 0 : i32
    %dma_wait3A_387 = tpu.memref_slice %arg3[%dma_wait3A_386] : memref<100001xf32, #tpu.memory_space<hbm>> -> memref<128xf32, #tpu.memory_space<hbm>>
    %dma_wait3A_388 = arith.constant 0 : i32
    %dma_wait3A_389 = tpu.memref_slice %arg9[%dma_wait3A_382, %dma_wait3A_388] : memref<50x128xf32, #tpu.memory_space<vmem>> -> memref<1x128xf32, #tpu.memory_space<vmem>>
    %dma_wait3A_390 = tpu.memref_squeeze %dma_wait3A_389 : memref<1x128xf32, #tpu.memory_space<vmem>> -> memref<128xf32, #tpu.memory_space<vmem>>
    %dma_wait3A_391 = arith.constant 0 : i32
    %dma_wait3A_392 = tpu.memref_slice %arg3[%dma_wait3A_391] : memref<100001xf32, #tpu.memory_space<hbm>> -> memref<128xf32, #tpu.memory_space<hbm>>
    tpu.wait_dma2 semaphore(%arg11 : memref<!tpu.dma_semaphore, #tpu.memory_space<semaphore_mem>>) src(%dma_wait3A_392 : memref<128xf32, #tpu.memory_space<hbm>>) dst(%dma_wait3A_390 : memref<128xf32, #tpu.memory_space<vmem>>)
    %dma_wait3A_393 = arith.constant 0 : i32
    %dma_wait3A_394 = arith.constant 0 : i32
    %dma_wait3A_395 = tpu.memref_slice %arg9[%dma_wait3A_393, %dma_wait3A_394] : memref<50x128xf32, #tpu.memory_space<vmem>> -> memref<1x128xf32, #tpu.memory_space<vmem>>
    %dma_wait3A_396 = tpu.memref_squeeze %dma_wait3A_395 : memref<1x128xf32, #tpu.memory_space<vmem>> -> memref<128xf32, #tpu.memory_space<vmem>>
    %dma_wait3A_397 = arith.constant 0 : i32
    %dma_wait3A_398 = tpu.memref_slice %arg3[%dma_wait3A_397] : memref<100001xf32, #tpu.memory_space<hbm>> -> memref<128xf32, #tpu.memory_space<hbm>>
    %dma_wait3A_399 = arith.constant 0 : i32
    %dma_wait3A_400 = tpu.memref_slice %arg9[%dma_wait3A_393, %dma_wait3A_399] : memref<50x128xf32, #tpu.memory_space<vmem>> -> memref<1x128xf32, #tpu.memory_space<vmem>>
    %dma_wait3A_401 = tpu.memref_squeeze %dma_wait3A_400 : memref<1x128xf32, #tpu.memory_space<vmem>> -> memref<128xf32, #tpu.memory_space<vmem>>
    %dma_wait3A_402 = arith.constant 0 : i32
    %dma_wait3A_403 = tpu.memref_slice %arg3[%dma_wait3A_402] : memref<100001xf32, #tpu.memory_space<hbm>> -> memref<128xf32, #tpu.memory_space<hbm>>
    tpu.wait_dma2 semaphore(%arg11 : memref<!tpu.dma_semaphore, #tpu.memory_space<semaphore_mem>>) src(%dma_wait3A_403 : memref<128xf32, #tpu.memory_space<hbm>>) dst(%dma_wait3A_401 : memref<128xf32, #tpu.memory_space<vmem>>)
    %dma_wait3A_404 = arith.constant 0 : i32
    %dma_wait3A_405 = arith.constant 0 : i32
    %dma_wait3A_406 = tpu.memref_slice %arg9[%dma_wait3A_404, %dma_wait3A_405] : memref<50x128xf32, #tpu.memory_space<vmem>> -> memref<1x128xf32, #tpu.memory_space<vmem>>
    %dma_wait3A_407 = tpu.memref_squeeze %dma_wait3A_406 : memref<1x128xf32, #tpu.memory_space<vmem>> -> memref<128xf32, #tpu.memory_space<vmem>>
    %dma_wait3A_408 = arith.constant 0 : i32
    %dma_wait3A_409 = tpu.memref_slice %arg3[%dma_wait3A_408] : memref<100001xf32, #tpu.memory_space<hbm>> -> memref<128xf32, #tpu.memory_space<hbm>>
    %dma_wait3A_410 = arith.constant 0 : i32
    %dma_wait3A_411 = tpu.memref_slice %arg9[%dma_wait3A_404, %dma_wait3A_410] : memref<50x128xf32, #tpu.memory_space<vmem>> -> memref<1x128xf32, #tpu.memory_space<vmem>>
    %dma_wait3A_412 = tpu.memref_squeeze %dma_wait3A_411 : memref<1x128xf32, #tpu.memory_space<vmem>> -> memref<128xf32, #tpu.memory_space<vmem>>
    %dma_wait3A_413 = arith.constant 0 : i32
    %dma_wait3A_414 = tpu.memref_slice %arg3[%dma_wait3A_413] : memref<100001xf32, #tpu.memory_space<hbm>> -> memref<128xf32, #tpu.memory_space<hbm>>
    tpu.wait_dma2 semaphore(%arg11 : memref<!tpu.dma_semaphore, #tpu.memory_space<semaphore_mem>>) src(%dma_wait3A_414 : memref<128xf32, #tpu.memory_space<hbm>>) dst(%dma_wait3A_412 : memref<128xf32, #tpu.memory_space<vmem>>)
    %dma_wait3A_415 = arith.constant 0 : i32
    %dma_wait3A_416 = arith.constant 0 : i32
    %dma_wait3A_417 = tpu.memref_slice %arg9[%dma_wait3A_415, %dma_wait3A_416] : memref<50x128xf32, #tpu.memory_space<vmem>> -> memref<1x128xf32, #tpu.memory_space<vmem>>
    %dma_wait3A_418 = tpu.memref_squeeze %dma_wait3A_417 : memref<1x128xf32, #tpu.memory_space<vmem>> -> memref<128xf32, #tpu.memory_space<vmem>>
    %dma_wait3A_419 = arith.constant 0 : i32
    %dma_wait3A_420 = tpu.memref_slice %arg3[%dma_wait3A_419] : memref<100001xf32, #tpu.memory_space<hbm>> -> memref<128xf32, #tpu.memory_space<hbm>>
    %dma_wait3A_421 = arith.constant 0 : i32
    %dma_wait3A_422 = tpu.memref_slice %arg9[%dma_wait3A_415, %dma_wait3A_421] : memref<50x128xf32, #tpu.memory_space<vmem>> -> memref<1x128xf32, #tpu.memory_space<vmem>>
    %dma_wait3A_423 = tpu.memref_squeeze %dma_wait3A_422 : memref<1x128xf32, #tpu.memory_space<vmem>> -> memref<128xf32, #tpu.memory_space<vmem>>
    %dma_wait3A_424 = arith.constant 0 : i32
    %dma_wait3A_425 = tpu.memref_slice %arg3[%dma_wait3A_424] : memref<100001xf32, #tpu.memory_space<hbm>> -> memref<128xf32, #tpu.memory_space<hbm>>
    tpu.wait_dma2 semaphore(%arg11 : memref<!tpu.dma_semaphore, #tpu.memory_space<semaphore_mem>>) src(%dma_wait3A_425 : memref<128xf32, #tpu.memory_space<hbm>>) dst(%dma_wait3A_423 : memref<128xf32, #tpu.memory_space<vmem>>)
    %dma_wait3A_426 = arith.constant 0 : i32
    %dma_wait3A_427 = arith.constant 0 : i32
    %dma_wait3A_428 = tpu.memref_slice %arg9[%dma_wait3A_426, %dma_wait3A_427] : memref<50x128xf32, #tpu.memory_space<vmem>> -> memref<1x128xf32, #tpu.memory_space<vmem>>
    %dma_wait3A_429 = tpu.memref_squeeze %dma_wait3A_428 : memref<1x128xf32, #tpu.memory_space<vmem>> -> memref<128xf32, #tpu.memory_space<vmem>>
    %dma_wait3A_430 = arith.constant 0 : i32
    %dma_wait3A_431 = tpu.memref_slice %arg3[%dma_wait3A_430] : memref<100001xf32, #tpu.memory_space<hbm>> -> memref<128xf32, #tpu.memory_space<hbm>>
    %dma_wait3A_432 = arith.constant 0 : i32
    %dma_wait3A_433 = tpu.memref_slice %arg9[%dma_wait3A_426, %dma_wait3A_432] : memref<50x128xf32, #tpu.memory_space<vmem>> -> memref<1x128xf32, #tpu.memory_space<vmem>>
    %dma_wait3A_434 = tpu.memref_squeeze %dma_wait3A_433 : memref<1x128xf32, #tpu.memory_space<vmem>> -> memref<128xf32, #tpu.memory_space<vmem>>
    %dma_wait3A_435 = arith.constant 0 : i32
    %dma_wait3A_436 = tpu.memref_slice %arg3[%dma_wait3A_435] : memref<100001xf32, #tpu.memory_space<hbm>> -> memref<128xf32, #tpu.memory_space<hbm>>
    tpu.wait_dma2 semaphore(%arg11 : memref<!tpu.dma_semaphore, #tpu.memory_space<semaphore_mem>>) src(%dma_wait3A_436 : memref<128xf32, #tpu.memory_space<hbm>>) dst(%dma_wait3A_434 : memref<128xf32, #tpu.memory_space<vmem>>)
    %dma_wait3A_437 = arith.constant 0 : i32
    %dma_wait3A_438 = arith.constant 0 : i32
    %dma_wait3A_439 = tpu.memref_slice %arg9[%dma_wait3A_437, %dma_wait3A_438] : memref<50x128xf32, #tpu.memory_space<vmem>> -> memref<1x128xf32, #tpu.memory_space<vmem>>
    %dma_wait3A_440 = tpu.memref_squeeze %dma_wait3A_439 : memref<1x128xf32, #tpu.memory_space<vmem>> -> memref<128xf32, #tpu.memory_space<vmem>>
    %dma_wait3A_441 = arith.constant 0 : i32
    %dma_wait3A_442 = tpu.memref_slice %arg3[%dma_wait3A_441] : memref<100001xf32, #tpu.memory_space<hbm>> -> memref<128xf32, #tpu.memory_space<hbm>>
    %dma_wait3A_443 = arith.constant 0 : i32
    %dma_wait3A_444 = tpu.memref_slice %arg9[%dma_wait3A_437, %dma_wait3A_443] : memref<50x128xf32, #tpu.memory_space<vmem>> -> memref<1x128xf32, #tpu.memory_space<vmem>>
    %dma_wait3A_445 = tpu.memref_squeeze %dma_wait3A_444 : memref<1x128xf32, #tpu.memory_space<vmem>> -> memref<128xf32, #tpu.memory_space<vmem>>
    %dma_wait3A_446 = arith.constant 0 : i32
    %dma_wait3A_447 = tpu.memref_slice %arg3[%dma_wait3A_446] : memref<100001xf32, #tpu.memory_space<hbm>> -> memref<128xf32, #tpu.memory_space<hbm>>
    tpu.wait_dma2 semaphore(%arg11 : memref<!tpu.dma_semaphore, #tpu.memory_space<semaphore_mem>>) src(%dma_wait3A_447 : memref<128xf32, #tpu.memory_space<hbm>>) dst(%dma_wait3A_445 : memref<128xf32, #tpu.memory_space<vmem>>)
    %dma_wait3A_448 = arith.constant 0 : i32
    %dma_wait3A_449 = arith.constant 0 : i32
    %dma_wait3A_450 = tpu.memref_slice %arg9[%dma_wait3A_448, %dma_wait3A_449] : memref<50x128xf32, #tpu.memory_space<vmem>> -> memref<1x128xf32, #tpu.memory_space<vmem>>
    %dma_wait3A_451 = tpu.memref_squeeze %dma_wait3A_450 : memref<1x128xf32, #tpu.memory_space<vmem>> -> memref<128xf32, #tpu.memory_space<vmem>>
    %dma_wait3A_452 = arith.constant 0 : i32
    %dma_wait3A_453 = tpu.memref_slice %arg3[%dma_wait3A_452] : memref<100001xf32, #tpu.memory_space<hbm>> -> memref<128xf32, #tpu.memory_space<hbm>>
    %dma_wait3A_454 = arith.constant 0 : i32
    %dma_wait3A_455 = tpu.memref_slice %arg9[%dma_wait3A_448, %dma_wait3A_454] : memref<50x128xf32, #tpu.memory_space<vmem>> -> memref<1x128xf32, #tpu.memory_space<vmem>>
    %dma_wait3A_456 = tpu.memref_squeeze %dma_wait3A_455 : memref<1x128xf32, #tpu.memory_space<vmem>> -> memref<128xf32, #tpu.memory_space<vmem>>
    %dma_wait3A_457 = arith.constant 0 : i32
    %dma_wait3A_458 = tpu.memref_slice %arg3[%dma_wait3A_457] : memref<100001xf32, #tpu.memory_space<hbm>> -> memref<128xf32, #tpu.memory_space<hbm>>
    tpu.wait_dma2 semaphore(%arg11 : memref<!tpu.dma_semaphore, #tpu.memory_space<semaphore_mem>>) src(%dma_wait3A_458 : memref<128xf32, #tpu.memory_space<hbm>>) dst(%dma_wait3A_456 : memref<128xf32, #tpu.memory_space<vmem>>)
    %dma_wait3A_459 = arith.constant 0 : i32
    %dma_wait3A_460 = arith.constant 0 : i32
    %dma_wait3A_461 = tpu.memref_slice %arg9[%dma_wait3A_459, %dma_wait3A_460] : memref<50x128xf32, #tpu.memory_space<vmem>> -> memref<1x128xf32, #tpu.memory_space<vmem>>
    %dma_wait3A_462 = tpu.memref_squeeze %dma_wait3A_461 : memref<1x128xf32, #tpu.memory_space<vmem>> -> memref<128xf32, #tpu.memory_space<vmem>>
    %dma_wait3A_463 = arith.constant 0 : i32
    %dma_wait3A_464 = tpu.memref_slice %arg3[%dma_wait3A_463] : memref<100001xf32, #tpu.memory_space<hbm>> -> memref<128xf32, #tpu.memory_space<hbm>>
    %dma_wait3A_465 = arith.constant 0 : i32
    %dma_wait3A_466 = tpu.memref_slice %arg9[%dma_wait3A_459, %dma_wait3A_465] : memref<50x128xf32, #tpu.memory_space<vmem>> -> memref<1x128xf32, #tpu.memory_space<vmem>>
    %dma_wait3A_467 = tpu.memref_squeeze %dma_wait3A_466 : memref<1x128xf32, #tpu.memory_space<vmem>> -> memref<128xf32, #tpu.memory_space<vmem>>
    %dma_wait3A_468 = arith.constant 0 : i32
    %dma_wait3A_469 = tpu.memref_slice %arg3[%dma_wait3A_468] : memref<100001xf32, #tpu.memory_space<hbm>> -> memref<128xf32, #tpu.memory_space<hbm>>
    tpu.wait_dma2 semaphore(%arg11 : memref<!tpu.dma_semaphore, #tpu.memory_space<semaphore_mem>>) src(%dma_wait3A_469 : memref<128xf32, #tpu.memory_space<hbm>>) dst(%dma_wait3A_467 : memref<128xf32, #tpu.memory_space<vmem>>)
    %dma_wait3A_470 = arith.constant 0 : i32
    %dma_wait3A_471 = arith.constant 0 : i32
    %dma_wait3A_472 = tpu.memref_slice %arg9[%dma_wait3A_470, %dma_wait3A_471] : memref<50x128xf32, #tpu.memory_space<vmem>> -> memref<1x128xf32, #tpu.memory_space<vmem>>
    %dma_wait3A_473 = tpu.memref_squeeze %dma_wait3A_472 : memref<1x128xf32, #tpu.memory_space<vmem>> -> memref<128xf32, #tpu.memory_space<vmem>>
    %dma_wait3A_474 = arith.constant 0 : i32
    %dma_wait3A_475 = tpu.memref_slice %arg3[%dma_wait3A_474] : memref<100001xf32, #tpu.memory_space<hbm>> -> memref<128xf32, #tpu.memory_space<hbm>>
    %dma_wait3A_476 = arith.constant 0 : i32
    %dma_wait3A_477 = tpu.memref_slice %arg9[%dma_wait3A_470, %dma_wait3A_476] : memref<50x128xf32, #tpu.memory_space<vmem>> -> memref<1x128xf32, #tpu.memory_space<vmem>>
    %dma_wait3A_478 = tpu.memref_squeeze %dma_wait3A_477 : memref<1x128xf32, #tpu.memory_space<vmem>> -> memref<128xf32, #tpu.memory_space<vmem>>
    %dma_wait3A_479 = arith.constant 0 : i32
    %dma_wait3A_480 = tpu.memref_slice %arg3[%dma_wait3A_479] : memref<100001xf32, #tpu.memory_space<hbm>> -> memref<128xf32, #tpu.memory_space<hbm>>
    tpu.wait_dma2 semaphore(%arg11 : memref<!tpu.dma_semaphore, #tpu.memory_space<semaphore_mem>>) src(%dma_wait3A_480 : memref<128xf32, #tpu.memory_space<hbm>>) dst(%dma_wait3A_478 : memref<128xf32, #tpu.memory_space<vmem>>)
    %dma_wait3A_481 = arith.constant 0 : i32
    %dma_wait3A_482 = arith.constant 0 : i32
    %dma_wait3A_483 = tpu.memref_slice %arg9[%dma_wait3A_481, %dma_wait3A_482] : memref<50x128xf32, #tpu.memory_space<vmem>> -> memref<1x128xf32, #tpu.memory_space<vmem>>
    %dma_wait3A_484 = tpu.memref_squeeze %dma_wait3A_483 : memref<1x128xf32, #tpu.memory_space<vmem>> -> memref<128xf32, #tpu.memory_space<vmem>>
    %dma_wait3A_485 = arith.constant 0 : i32
    %dma_wait3A_486 = tpu.memref_slice %arg3[%dma_wait3A_485] : memref<100001xf32, #tpu.memory_space<hbm>> -> memref<128xf32, #tpu.memory_space<hbm>>
    %dma_wait3A_487 = arith.constant 0 : i32
    %dma_wait3A_488 = tpu.memref_slice %arg9[%dma_wait3A_481, %dma_wait3A_487] : memref<50x128xf32, #tpu.memory_space<vmem>> -> memref<1x128xf32, #tpu.memory_space<vmem>>
    %dma_wait3A_489 = tpu.memref_squeeze %dma_wait3A_488 : memref<1x128xf32, #tpu.memory_space<vmem>> -> memref<128xf32, #tpu.memory_space<vmem>>
    %dma_wait3A_490 = arith.constant 0 : i32
    %dma_wait3A_491 = tpu.memref_slice %arg3[%dma_wait3A_490] : memref<100001xf32, #tpu.memory_space<hbm>> -> memref<128xf32, #tpu.memory_space<hbm>>
    tpu.wait_dma2 semaphore(%arg11 : memref<!tpu.dma_semaphore, #tpu.memory_space<semaphore_mem>>) src(%dma_wait3A_491 : memref<128xf32, #tpu.memory_space<hbm>>) dst(%dma_wait3A_489 : memref<128xf32, #tpu.memory_space<vmem>>)
    %dma_wait3A_492 = arith.constant 0 : i32
    %dma_wait3A_493 = arith.constant 0 : i32
    %dma_wait3A_494 = tpu.memref_slice %arg9[%dma_wait3A_492, %dma_wait3A_493] : memref<50x128xf32, #tpu.memory_space<vmem>> -> memref<1x128xf32, #tpu.memory_space<vmem>>
    %dma_wait3A_495 = tpu.memref_squeeze %dma_wait3A_494 : memref<1x128xf32, #tpu.memory_space<vmem>> -> memref<128xf32, #tpu.memory_space<vmem>>
    %dma_wait3A_496 = arith.constant 0 : i32
    %dma_wait3A_497 = tpu.memref_slice %arg3[%dma_wait3A_496] : memref<100001xf32, #tpu.memory_space<hbm>> -> memref<128xf32, #tpu.memory_space<hbm>>
    %dma_wait3A_498 = arith.constant 0 : i32
    %dma_wait3A_499 = tpu.memref_slice %arg9[%dma_wait3A_492, %dma_wait3A_498] : memref<50x128xf32, #tpu.memory_space<vmem>> -> memref<1x128xf32, #tpu.memory_space<vmem>>
    %dma_wait3A_500 = tpu.memref_squeeze %dma_wait3A_499 : memref<1x128xf32, #tpu.memory_space<vmem>> -> memref<128xf32, #tpu.memory_space<vmem>>
    %dma_wait3A_501 = arith.constant 0 : i32
    %dma_wait3A_502 = tpu.memref_slice %arg3[%dma_wait3A_501] : memref<100001xf32, #tpu.memory_space<hbm>> -> memref<128xf32, #tpu.memory_space<hbm>>
    tpu.wait_dma2 semaphore(%arg11 : memref<!tpu.dma_semaphore, #tpu.memory_space<semaphore_mem>>) src(%dma_wait3A_502 : memref<128xf32, #tpu.memory_space<hbm>>) dst(%dma_wait3A_500 : memref<128xf32, #tpu.memory_space<vmem>>)
    %dma_wait3A_503 = arith.constant 0 : i32
    %dma_wait3A_504 = arith.constant 0 : i32
    %dma_wait3A_505 = tpu.memref_slice %arg9[%dma_wait3A_503, %dma_wait3A_504] : memref<50x128xf32, #tpu.memory_space<vmem>> -> memref<1x128xf32, #tpu.memory_space<vmem>>
    %dma_wait3A_506 = tpu.memref_squeeze %dma_wait3A_505 : memref<1x128xf32, #tpu.memory_space<vmem>> -> memref<128xf32, #tpu.memory_space<vmem>>
    %dma_wait3A_507 = arith.constant 0 : i32
    %dma_wait3A_508 = tpu.memref_slice %arg3[%dma_wait3A_507] : memref<100001xf32, #tpu.memory_space<hbm>> -> memref<128xf32, #tpu.memory_space<hbm>>
    %dma_wait3A_509 = arith.constant 0 : i32
    %dma_wait3A_510 = tpu.memref_slice %arg9[%dma_wait3A_503, %dma_wait3A_509] : memref<50x128xf32, #tpu.memory_space<vmem>> -> memref<1x128xf32, #tpu.memory_space<vmem>>
    %dma_wait3A_511 = tpu.memref_squeeze %dma_wait3A_510 : memref<1x128xf32, #tpu.memory_space<vmem>> -> memref<128xf32, #tpu.memory_space<vmem>>
    %dma_wait3A_512 = arith.constant 0 : i32
    %dma_wait3A_513 = tpu.memref_slice %arg3[%dma_wait3A_512] : memref<100001xf32, #tpu.memory_space<hbm>> -> memref<128xf32, #tpu.memory_space<hbm>>
    tpu.wait_dma2 semaphore(%arg11 : memref<!tpu.dma_semaphore, #tpu.memory_space<semaphore_mem>>) src(%dma_wait3A_513 : memref<128xf32, #tpu.memory_space<hbm>>) dst(%dma_wait3A_511 : memref<128xf32, #tpu.memory_space<vmem>>)
    %dma_wait3A_514 = arith.constant 0 : i32
    %dma_wait3A_515 = arith.constant 0 : i32
    %dma_wait3A_516 = tpu.memref_slice %arg9[%dma_wait3A_514, %dma_wait3A_515] : memref<50x128xf32, #tpu.memory_space<vmem>> -> memref<1x128xf32, #tpu.memory_space<vmem>>
    %dma_wait3A_517 = tpu.memref_squeeze %dma_wait3A_516 : memref<1x128xf32, #tpu.memory_space<vmem>> -> memref<128xf32, #tpu.memory_space<vmem>>
    %dma_wait3A_518 = arith.constant 0 : i32
    %dma_wait3A_519 = tpu.memref_slice %arg3[%dma_wait3A_518] : memref<100001xf32, #tpu.memory_space<hbm>> -> memref<128xf32, #tpu.memory_space<hbm>>
    %dma_wait3A_520 = arith.constant 0 : i32
    %dma_wait3A_521 = tpu.memref_slice %arg9[%dma_wait3A_514, %dma_wait3A_520] : memref<50x128xf32, #tpu.memory_space<vmem>> -> memref<1x128xf32, #tpu.memory_space<vmem>>
    %dma_wait3A_522 = tpu.memref_squeeze %dma_wait3A_521 : memref<1x128xf32, #tpu.memory_space<vmem>> -> memref<128xf32, #tpu.memory_space<vmem>>
    %dma_wait3A_523 = arith.constant 0 : i32
    %dma_wait3A_524 = tpu.memref_slice %arg3[%dma_wait3A_523] : memref<100001xf32, #tpu.memory_space<hbm>> -> memref<128xf32, #tpu.memory_space<hbm>>
    tpu.wait_dma2 semaphore(%arg11 : memref<!tpu.dma_semaphore, #tpu.memory_space<semaphore_mem>>) src(%dma_wait3A_524 : memref<128xf32, #tpu.memory_space<hbm>>) dst(%dma_wait3A_522 : memref<128xf32, #tpu.memory_space<vmem>>)
    %dma_wait3A_525 = arith.constant 0 : i32
    %dma_wait3A_526 = arith.constant 0 : i32
    %dma_wait3A_527 = tpu.memref_slice %arg9[%dma_wait3A_525, %dma_wait3A_526] : memref<50x128xf32, #tpu.memory_space<vmem>> -> memref<1x128xf32, #tpu.memory_space<vmem>>
    %dma_wait3A_528 = tpu.memref_squeeze %dma_wait3A_527 : memref<1x128xf32, #tpu.memory_space<vmem>> -> memref<128xf32, #tpu.memory_space<vmem>>
    %dma_wait3A_529 = arith.constant 0 : i32
    %dma_wait3A_530 = tpu.memref_slice %arg3[%dma_wait3A_529] : memref<100001xf32, #tpu.memory_space<hbm>> -> memref<128xf32, #tpu.memory_space<hbm>>
    %dma_wait3A_531 = arith.constant 0 : i32
    %dma_wait3A_532 = tpu.memref_slice %arg9[%dma_wait3A_525, %dma_wait3A_531] : memref<50x128xf32, #tpu.memory_space<vmem>> -> memref<1x128xf32, #tpu.memory_space<vmem>>
    %dma_wait3A_533 = tpu.memref_squeeze %dma_wait3A_532 : memref<1x128xf32, #tpu.memory_space<vmem>> -> memref<128xf32, #tpu.memory_space<vmem>>
    %dma_wait3A_534 = arith.constant 0 : i32
    %dma_wait3A_535 = tpu.memref_slice %arg3[%dma_wait3A_534] : memref<100001xf32, #tpu.memory_space<hbm>> -> memref<128xf32, #tpu.memory_space<hbm>>
    tpu.wait_dma2 semaphore(%arg11 : memref<!tpu.dma_semaphore, #tpu.memory_space<semaphore_mem>>) src(%dma_wait3A_535 : memref<128xf32, #tpu.memory_space<hbm>>) dst(%dma_wait3A_533 : memref<128xf32, #tpu.memory_space<vmem>>)
    %dma_wait3A_536 = arith.constant 0 : i32
    %dma_wait3A_537 = arith.constant 0 : i32
    %dma_wait3A_538 = tpu.memref_slice %arg9[%dma_wait3A_536, %dma_wait3A_537] : memref<50x128xf32, #tpu.memory_space<vmem>> -> memref<1x128xf32, #tpu.memory_space<vmem>>
    %dma_wait3A_539 = tpu.memref_squeeze %dma_wait3A_538 : memref<1x128xf32, #tpu.memory_space<vmem>> -> memref<128xf32, #tpu.memory_space<vmem>>
    %dma_wait3A_540 = arith.constant 0 : i32
    %dma_wait3A_541 = tpu.memref_slice %arg3[%dma_wait3A_540] : memref<100001xf32, #tpu.memory_space<hbm>> -> memref<128xf32, #tpu.memory_space<hbm>>
    %dma_wait3A_542 = arith.constant 0 : i32
    %dma_wait3A_543 = tpu.memref_slice %arg9[%dma_wait3A_536, %dma_wait3A_542] : memref<50x128xf32, #tpu.memory_space<vmem>> -> memref<1x128xf32, #tpu.memory_space<vmem>>
    %dma_wait3A_544 = tpu.memref_squeeze %dma_wait3A_543 : memref<1x128xf32, #tpu.memory_space<vmem>> -> memref<128xf32, #tpu.memory_space<vmem>>
    %dma_wait3A_545 = arith.constant 0 : i32
    %dma_wait3A_546 = tpu.memref_slice %arg3[%dma_wait3A_545] : memref<100001xf32, #tpu.memory_space<hbm>> -> memref<128xf32, #tpu.memory_space<hbm>>
    tpu.wait_dma2 semaphore(%arg11 : memref<!tpu.dma_semaphore, #tpu.memory_space<semaphore_mem>>) src(%dma_wait3A_546 : memref<128xf32, #tpu.memory_space<hbm>>) dst(%dma_wait3A_544 : memref<128xf32, #tpu.memory_space<vmem>>)
    %dma_wait3A_547 = arith.constant 0 : i32
    %dma_wait3A_548 = arith.constant 0 : i32
    %dma_wait3A_549 = tpu.memref_slice %arg9[%dma_wait3A_547, %dma_wait3A_548] : memref<50x128xf32, #tpu.memory_space<vmem>> -> memref<1x128xf32, #tpu.memory_space<vmem>>
    %dma_wait3A_550 = tpu.memref_squeeze %dma_wait3A_549 : memref<1x128xf32, #tpu.memory_space<vmem>> -> memref<128xf32, #tpu.memory_space<vmem>>
    %dma_wait3A_551 = arith.constant 0 : i32
    %dma_wait3A_552 = tpu.memref_slice %arg3[%dma_wait3A_551] : memref<100001xf32, #tpu.memory_space<hbm>> -> memref<128xf32, #tpu.memory_space<hbm>>
    %dma_wait3A_553 = arith.constant 0 : i32
    %dma_wait3A_554 = tpu.memref_slice %arg9[%dma_wait3A_547, %dma_wait3A_553] : memref<50x128xf32, #tpu.memory_space<vmem>> -> memref<1x128xf32, #tpu.memory_space<vmem>>
    %dma_wait3A_555 = tpu.memref_squeeze %dma_wait3A_554 : memref<1x128xf32, #tpu.memory_space<vmem>> -> memref<128xf32, #tpu.memory_space<vmem>>
    %dma_wait3A_556 = arith.constant 0 : i32
    %dma_wait3A_557 = tpu.memref_slice %arg3[%dma_wait3A_556] : memref<100001xf32, #tpu.memory_space<hbm>> -> memref<128xf32, #tpu.memory_space<hbm>>
    tpu.wait_dma2 semaphore(%arg11 : memref<!tpu.dma_semaphore, #tpu.memory_space<semaphore_mem>>) src(%dma_wait3A_557 : memref<128xf32, #tpu.memory_space<hbm>>) dst(%dma_wait3A_555 : memref<128xf32, #tpu.memory_space<vmem>>)
    %dma_wait3A_558 = arith.constant 0 : i32
    %dma_wait3A_559 = arith.constant 0 : i32
    %dma_wait3A_560 = tpu.memref_slice %arg9[%dma_wait3A_558, %dma_wait3A_559] : memref<50x128xf32, #tpu.memory_space<vmem>> -> memref<1x128xf32, #tpu.memory_space<vmem>>
    %dma_wait3A_561 = tpu.memref_squeeze %dma_wait3A_560 : memref<1x128xf32, #tpu.memory_space<vmem>> -> memref<128xf32, #tpu.memory_space<vmem>>
    %dma_wait3A_562 = arith.constant 0 : i32
    %dma_wait3A_563 = tpu.memref_slice %arg3[%dma_wait3A_562] : memref<100001xf32, #tpu.memory_space<hbm>> -> memref<128xf32, #tpu.memory_space<hbm>>
    %dma_wait3A_564 = arith.constant 0 : i32
    %dma_wait3A_565 = tpu.memref_slice %arg9[%dma_wait3A_558, %dma_wait3A_564] : memref<50x128xf32, #tpu.memory_space<vmem>> -> memref<1x128xf32, #tpu.memory_space<vmem>>
    %dma_wait3A_566 = tpu.memref_squeeze %dma_wait3A_565 : memref<1x128xf32, #tpu.memory_space<vmem>> -> memref<128xf32, #tpu.memory_space<vmem>>
    %dma_wait3A_567 = arith.constant 0 : i32
    %dma_wait3A_568 = tpu.memref_slice %arg3[%dma_wait3A_567] : memref<100001xf32, #tpu.memory_space<hbm>> -> memref<128xf32, #tpu.memory_space<hbm>>
    tpu.wait_dma2 semaphore(%arg11 : memref<!tpu.dma_semaphore, #tpu.memory_space<semaphore_mem>>) src(%dma_wait3A_568 : memref<128xf32, #tpu.memory_space<hbm>>) dst(%dma_wait3A_566 : memref<128xf32, #tpu.memory_space<vmem>>)
    %dma_wait3A_569 = arith.constant 0 : i32
    %dma_wait3A_570 = arith.constant 0 : i32
    %dma_wait3A_571 = tpu.memref_slice %arg9[%dma_wait3A_569, %dma_wait3A_570] : memref<50x128xf32, #tpu.memory_space<vmem>> -> memref<1x128xf32, #tpu.memory_space<vmem>>
    %dma_wait3A_572 = tpu.memref_squeeze %dma_wait3A_571 : memref<1x128xf32, #tpu.memory_space<vmem>> -> memref<128xf32, #tpu.memory_space<vmem>>
    %dma_wait3A_573 = arith.constant 0 : i32
    %dma_wait3A_574 = tpu.memref_slice %arg3[%dma_wait3A_573] : memref<100001xf32, #tpu.memory_space<hbm>> -> memref<128xf32, #tpu.memory_space<hbm>>
    %dma_wait3A_575 = arith.constant 0 : i32
    %dma_wait3A_576 = tpu.memref_slice %arg9[%dma_wait3A_569, %dma_wait3A_575] : memref<50x128xf32, #tpu.memory_space<vmem>> -> memref<1x128xf32, #tpu.memory_space<vmem>>
    %dma_wait3A_577 = tpu.memref_squeeze %dma_wait3A_576 : memref<1x128xf32, #tpu.memory_space<vmem>> -> memref<128xf32, #tpu.memory_space<vmem>>
    %dma_wait3A_578 = arith.constant 0 : i32
    %dma_wait3A_579 = tpu.memref_slice %arg3[%dma_wait3A_578] : memref<100001xf32, #tpu.memory_space<hbm>> -> memref<128xf32, #tpu.memory_space<hbm>>
    tpu.wait_dma2 semaphore(%arg11 : memref<!tpu.dma_semaphore, #tpu.memory_space<semaphore_mem>>) src(%dma_wait3A_579 : memref<128xf32, #tpu.memory_space<hbm>>) dst(%dma_wait3A_577 : memref<128xf32, #tpu.memory_space<vmem>>)
    %dma_wait3A_580 = arith.constant 0 : i32
    %dma_wait3A_581 = arith.constant 0 : i32
    %dma_wait3A_582 = tpu.memref_slice %arg9[%dma_wait3A_580, %dma_wait3A_581] : memref<50x128xf32, #tpu.memory_space<vmem>> -> memref<1x128xf32, #tpu.memory_space<vmem>>
    %dma_wait3A_583 = tpu.memref_squeeze %dma_wait3A_582 : memref<1x128xf32, #tpu.memory_space<vmem>> -> memref<128xf32, #tpu.memory_space<vmem>>
    %dma_wait3A_584 = arith.constant 0 : i32
    %dma_wait3A_585 = tpu.memref_slice %arg3[%dma_wait3A_584] : memref<100001xf32, #tpu.memory_space<hbm>> -> memref<128xf32, #tpu.memory_space<hbm>>
    %dma_wait3A_586 = arith.constant 0 : i32
    %dma_wait3A_587 = tpu.memref_slice %arg9[%dma_wait3A_580, %dma_wait3A_586] : memref<50x128xf32, #tpu.memory_space<vmem>> -> memref<1x128xf32, #tpu.memory_space<vmem>>
    %dma_wait3A_588 = tpu.memref_squeeze %dma_wait3A_587 : memref<1x128xf32, #tpu.memory_space<vmem>> -> memref<128xf32, #tpu.memory_space<vmem>>
    %dma_wait3A_589 = arith.constant 0 : i32
    %dma_wait3A_590 = tpu.memref_slice %arg3[%dma_wait3A_589] : memref<100001xf32, #tpu.memory_space<hbm>> -> memref<128xf32, #tpu.memory_space<hbm>>
    tpu.wait_dma2 semaphore(%arg11 : memref<!tpu.dma_semaphore, #tpu.memory_space<semaphore_mem>>) src(%dma_wait3A_590 : memref<128xf32, #tpu.memory_space<hbm>>) dst(%dma_wait3A_588 : memref<128xf32, #tpu.memory_space<vmem>>)
    %dma_wait3A_591 = arith.constant 0 : i32
    %dma_wait3A_592 = arith.constant 0 : i32
    %dma_wait3A_593 = tpu.memref_slice %arg9[%dma_wait3A_591, %dma_wait3A_592] : memref<50x128xf32, #tpu.memory_space<vmem>> -> memref<1x128xf32, #tpu.memory_space<vmem>>
    %dma_wait3A_594 = tpu.memref_squeeze %dma_wait3A_593 : memref<1x128xf32, #tpu.memory_space<vmem>> -> memref<128xf32, #tpu.memory_space<vmem>>
    %dma_wait3A_595 = arith.constant 0 : i32
    %dma_wait3A_596 = tpu.memref_slice %arg3[%dma_wait3A_595] : memref<100001xf32, #tpu.memory_space<hbm>> -> memref<128xf32, #tpu.memory_space<hbm>>
    %dma_wait3A_597 = arith.constant 0 : i32
    %dma_wait3A_598 = tpu.memref_slice %arg9[%dma_wait3A_591, %dma_wait3A_597] : memref<50x128xf32, #tpu.memory_space<vmem>> -> memref<1x128xf32, #tpu.memory_space<vmem>>
    %dma_wait3A_599 = tpu.memref_squeeze %dma_wait3A_598 : memref<1x128xf32, #tpu.memory_space<vmem>> -> memref<128xf32, #tpu.memory_space<vmem>>
    %dma_wait3A_600 = arith.constant 0 : i32
    %dma_wait3A_601 = tpu.memref_slice %arg3[%dma_wait3A_600] : memref<100001xf32, #tpu.memory_space<hbm>> -> memref<128xf32, #tpu.memory_space<hbm>>
    tpu.wait_dma2 semaphore(%arg11 : memref<!tpu.dma_semaphore, #tpu.memory_space<semaphore_mem>>) src(%dma_wait3A_601 : memref<128xf32, #tpu.memory_space<hbm>>) dst(%dma_wait3A_599 : memref<128xf32, #tpu.memory_space<vmem>>)
    %dma_wait3A_602 = arith.constant 0 : i32
    %dma_wait3A_603 = arith.constant 0 : i32
    %dma_wait3A_604 = tpu.memref_slice %arg9[%dma_wait3A_602, %dma_wait3A_603] : memref<50x128xf32, #tpu.memory_space<vmem>> -> memref<1x128xf32, #tpu.memory_space<vmem>>
    %dma_wait3A_605 = tpu.memref_squeeze %dma_wait3A_604 : memref<1x128xf32, #tpu.memory_space<vmem>> -> memref<128xf32, #tpu.memory_space<vmem>>
    %dma_wait3A_606 = arith.constant 0 : i32
    %dma_wait3A_607 = tpu.memref_slice %arg3[%dma_wait3A_606] : memref<100001xf32, #tpu.memory_space<hbm>> -> memref<128xf32, #tpu.memory_space<hbm>>
    %dma_wait3A_608 = arith.constant 0 : i32
    %dma_wait3A_609 = tpu.memref_slice %arg9[%dma_wait3A_602, %dma_wait3A_608] : memref<50x128xf32, #tpu.memory_space<vmem>> -> memref<1x128xf32, #tpu.memory_space<vmem>>
    %dma_wait3A_610 = tpu.memref_squeeze %dma_wait3A_609 : memref<1x128xf32, #tpu.memory_space<vmem>> -> memref<128xf32, #tpu.memory_space<vmem>>
    %dma_wait3A_611 = arith.constant 0 : i32
    %dma_wait3A_612 = tpu.memref_slice %arg3[%dma_wait3A_611] : memref<100001xf32, #tpu.memory_space<hbm>> -> memref<128xf32, #tpu.memory_space<hbm>>
    tpu.wait_dma2 semaphore(%arg11 : memref<!tpu.dma_semaphore, #tpu.memory_space<semaphore_mem>>) src(%dma_wait3A_612 : memref<128xf32, #tpu.memory_space<hbm>>) dst(%dma_wait3A_610 : memref<128xf32, #tpu.memory_space<vmem>>)
    %dma_wait3A_613 = arith.constant 0 : i32
    %dma_wait3A_614 = arith.constant 0 : i32
    %dma_wait3A_615 = tpu.memref_slice %arg9[%dma_wait3A_613, %dma_wait3A_614] : memref<50x128xf32, #tpu.memory_space<vmem>> -> memref<1x128xf32, #tpu.memory_space<vmem>>
    %dma_wait3A_616 = tpu.memref_squeeze %dma_wait3A_615 : memref<1x128xf32, #tpu.memory_space<vmem>> -> memref<128xf32, #tpu.memory_space<vmem>>
    %dma_wait3A_617 = arith.constant 0 : i32
    %dma_wait3A_618 = tpu.memref_slice %arg3[%dma_wait3A_617] : memref<100001xf32, #tpu.memory_space<hbm>> -> memref<128xf32, #tpu.memory_space<hbm>>
    %dma_wait3A_619 = arith.constant 0 : i32
    %dma_wait3A_620 = tpu.memref_slice %arg9[%dma_wait3A_613, %dma_wait3A_619] : memref<50x128xf32, #tpu.memory_space<vmem>> -> memref<1x128xf32, #tpu.memory_space<vmem>>
    %dma_wait3A_621 = tpu.memref_squeeze %dma_wait3A_620 : memref<1x128xf32, #tpu.memory_space<vmem>> -> memref<128xf32, #tpu.memory_space<vmem>>
    %dma_wait3A_622 = arith.constant 0 : i32
    %dma_wait3A_623 = tpu.memref_slice %arg3[%dma_wait3A_622] : memref<100001xf32, #tpu.memory_space<hbm>> -> memref<128xf32, #tpu.memory_space<hbm>>
    tpu.wait_dma2 semaphore(%arg11 : memref<!tpu.dma_semaphore, #tpu.memory_space<semaphore_mem>>) src(%dma_wait3A_623 : memref<128xf32, #tpu.memory_space<hbm>>) dst(%dma_wait3A_621 : memref<128xf32, #tpu.memory_space<vmem>>)
    %dma_wait3A_624 = arith.constant 0 : i32
    %dma_wait3A_625 = arith.constant 0 : i32
    %dma_wait3A_626 = tpu.memref_slice %arg9[%dma_wait3A_624, %dma_wait3A_625] : memref<50x128xf32, #tpu.memory_space<vmem>> -> memref<1x128xf32, #tpu.memory_space<vmem>>
    %dma_wait3A_627 = tpu.memref_squeeze %dma_wait3A_626 : memref<1x128xf32, #tpu.memory_space<vmem>> -> memref<128xf32, #tpu.memory_space<vmem>>
    %dma_wait3A_628 = arith.constant 0 : i32
    %dma_wait3A_629 = tpu.memref_slice %arg3[%dma_wait3A_628] : memref<100001xf32, #tpu.memory_space<hbm>> -> memref<128xf32, #tpu.memory_space<hbm>>
    %dma_wait3A_630 = arith.constant 0 : i32
    %dma_wait3A_631 = tpu.memref_slice %arg9[%dma_wait3A_624, %dma_wait3A_630] : memref<50x128xf32, #tpu.memory_space<vmem>> -> memref<1x128xf32, #tpu.memory_space<vmem>>
    %dma_wait3A_632 = tpu.memref_squeeze %dma_wait3A_631 : memref<1x128xf32, #tpu.memory_space<vmem>> -> memref<128xf32, #tpu.memory_space<vmem>>
    %dma_wait3A_633 = arith.constant 0 : i32
    %dma_wait3A_634 = tpu.memref_slice %arg3[%dma_wait3A_633] : memref<100001xf32, #tpu.memory_space<hbm>> -> memref<128xf32, #tpu.memory_space<hbm>>
    tpu.wait_dma2 semaphore(%arg11 : memref<!tpu.dma_semaphore, #tpu.memory_space<semaphore_mem>>) src(%dma_wait3A_634 : memref<128xf32, #tpu.memory_space<hbm>>) dst(%dma_wait3A_632 : memref<128xf32, #tpu.memory_space<vmem>>)
    %dma_wait3A_635 = arith.constant 0 : i32
    %dma_wait3A_636 = arith.constant 0 : i32
    %dma_wait3A_637 = tpu.memref_slice %arg9[%dma_wait3A_635, %dma_wait3A_636] : memref<50x128xf32, #tpu.memory_space<vmem>> -> memref<1x128xf32, #tpu.memory_space<vmem>>
    %dma_wait3A_638 = tpu.memref_squeeze %dma_wait3A_637 : memref<1x128xf32, #tpu.memory_space<vmem>> -> memref<128xf32, #tpu.memory_space<vmem>>
    %dma_wait3A_639 = arith.constant 0 : i32
    %dma_wait3A_640 = tpu.memref_slice %arg3[%dma_wait3A_639] : memref<100001xf32, #tpu.memory_space<hbm>> -> memref<128xf32, #tpu.memory_space<hbm>>
    %dma_wait3A_641 = arith.constant 0 : i32
    %dma_wait3A_642 = tpu.memref_slice %arg9[%dma_wait3A_635, %dma_wait3A_641] : memref<50x128xf32, #tpu.memory_space<vmem>> -> memref<1x128xf32, #tpu.memory_space<vmem>>
    %dma_wait3A_643 = tpu.memref_squeeze %dma_wait3A_642 : memref<1x128xf32, #tpu.memory_space<vmem>> -> memref<128xf32, #tpu.memory_space<vmem>>
    %dma_wait3A_644 = arith.constant 0 : i32
    %dma_wait3A_645 = tpu.memref_slice %arg3[%dma_wait3A_644] : memref<100001xf32, #tpu.memory_space<hbm>> -> memref<128xf32, #tpu.memory_space<hbm>>
    tpu.wait_dma2 semaphore(%arg11 : memref<!tpu.dma_semaphore, #tpu.memory_space<semaphore_mem>>) src(%dma_wait3A_645 : memref<128xf32, #tpu.memory_space<hbm>>) dst(%dma_wait3A_643 : memref<128xf32, #tpu.memory_space<vmem>>)
    "tpu.region"() ({
      %run_scoped3A = tpu.sem_alloc : memref<!tpu.dma_semaphore, #tpu.memory_space<semaphore_mem>>
      %dma_start3A_646 = arith.constant 0 : i32
      %dma_start3A_647 = arith.constant 0 : i32
      %dma_start3A_648 = tpu.memref_slice %arg6[%add3A, %dma_start3A_646, %dma_start3A_647] : memref<32x50x128xf32, #tpu.memory_space<hbm>> -> memref<1x50x128xf32, #tpu.memory_space<hbm>>
      %dma_start3A_649 = tpu.memref_squeeze %dma_start3A_648 : memref<1x50x128xf32, #tpu.memory_space<hbm>> -> memref<50x128xf32, #tpu.memory_space<hbm>>
      %dma_start3A_650 = arith.constant 0 : i32
      %dma_start3A_651 = arith.constant 0 : i32
      %dma_start3A_652 = tpu.memref_slice %arg6[%add3A, %dma_start3A_650, %dma_start3A_651] : memref<32x50x128xf32, #tpu.memory_space<hbm>> -> memref<1x50x128xf32, #tpu.memory_space<hbm>>
      %dma_start3A_653 = tpu.memref_squeeze %dma_start3A_652 : memref<1x50x128xf32, #tpu.memory_space<hbm>> -> memref<50x128xf32, #tpu.memory_space<hbm>>
      tpu.enqueue_dma source(%arg9 : memref<50x128xf32, #tpu.memory_space<vmem>>) target(%dma_start3A_653 : memref<50x128xf32, #tpu.memory_space<hbm>>) target_semaphore(%run_scoped3A : memref<!tpu.dma_semaphore, #tpu.memory_space<semaphore_mem>>)
      %dma_wait3A_654 = arith.constant 0 : i32
      %dma_wait3A_655 = arith.constant 0 : i32
      %dma_wait3A_656 = tpu.memref_slice %arg6[%add3A, %dma_wait3A_654, %dma_wait3A_655] : memref<32x50x128xf32, #tpu.memory_space<hbm>> -> memref<1x50x128xf32, #tpu.memory_space<hbm>>
      %dma_wait3A_657 = tpu.memref_squeeze %dma_wait3A_656 : memref<1x50x128xf32, #tpu.memory_space<hbm>> -> memref<50x128xf32, #tpu.memory_space<hbm>>
      %dma_wait3A_658 = arith.constant 0 : i32
      %dma_wait3A_659 = arith.constant 0 : i32
      %dma_wait3A_660 = tpu.memref_slice %arg6[%add3A, %dma_wait3A_658, %dma_wait3A_659] : memref<32x50x128xf32, #tpu.memory_space<hbm>> -> memref<1x50x128xf32, #tpu.memory_space<hbm>>
      %dma_wait3A_661 = tpu.memref_squeeze %dma_wait3A_660 : memref<1x50x128xf32, #tpu.memory_space<hbm>> -> memref<50x128xf32, #tpu.memory_space<hbm>>
      tpu.wait_dma2 semaphore(%run_scoped3A : memref<!tpu.dma_semaphore, #tpu.memory_space<semaphore_mem>>) src(%arg9 : memref<50x128xf32, #tpu.memory_space<vmem>>) dst(%dma_wait3A_661 : memref<50x128xf32, #tpu.memory_space<hbm>>)
      tpu.yield
    }) : () -> ()
    return
  }
}

</mosaic_0001>

<sc_bundles>
// kernel: kernel.3.cloned.1.call-start
scs
__scs_entry_jumppad:
0x0: {  	(pc) =	sbr.rel $0x88, $3  }
0x1: {  	(tag) =	ssettag $0x0;
	lr =	simm.s32 $0x1  }
0x2: {  	[smem:$0x3F9E] =	sst lr;
	_ =	strace $0xD0000000  }
0x3: {  	_ = 	snop  }
0x4: {  	_ = 	snop  }
0x5: {  	_ = 	snop  }
0x6: {  	_ = 	snop  }
0x7: {  	_ = 	snop  }
__scs_overlays_trampoline_lowered:
0x8: {  	[smem:$0x3FAD] =	sst s0  }
0x9: {  	[smem:$0x3FAE] =	sst s1  }
0xa: {  	[smem:$0x3FAF] =	sst s2  }
0xb: {  	[smem:$0x3FB0] =	sst s3  }
0xc: {  	[smem:$0x3FB1] =	sst s4  }
0xd: {  	[smem:$0x3FB2] =	sst s5  }
0xe: {  	[smem:$0x3FB3] =	sst s6  }
0xf: {  	[smem:$0x3FB4] =	sst s7  }
0x10: {  	[smem:$0x3FB5] =	sst s8  }
0x11: {  	[smem:$0x3FB6] =	sst s9;
	s0 =	simm.s32 @!p0 $0x0  }
0x12: {  	s1 =	sld [smem:$0x3F9C];
	s0 =	simm.s32 @p0 $0x1  }
0x13: {  	[smem:$0x3FB7] =	sst s0;
	s0 =	simm.s32 @!p1 $0x0  }
0x14: {  	s2 =	sld [smem:$0x3F9B];
	s0 =	simm.s32 @p1 $0x1  }
0x15: {  	[smem:$0x3FB8] =	sst s0;
	s0 =	simm.s32 @!p2 $0x0  }
0x16: {  	s3 =	sld [smem:$0x3FDB];
	s0 =	simm.s32 @p2 $0x1  }
0x17: {  	s4 =	simm.s32 $0x1BF5;
	[smem:$0x3FBA] =	sst s0  }
0x18: {  	s0 =	sld [smem:$0x3F9D];
	_ =	swait.ge [sflag:s4], $0x0  }
0x19: {  	s7 =	sld [smem:$0x3F9E]  }
0x1a: {  	s8 =	sadd.s32 $0xFFFFE003, lr  }
0x1b: {  	s9 =	sadd.s32 $0xFFFFFEF7, lr;
	s5 =	simm.s32 $0xFFFFFFFF;
	p2 =	slt.u32 s8, $0xFFFFF086  }
0x1c: {  	p1 =	slt.u32 s9, $0xF7A;
	s5 =	simm.s32 @!p2 $0x0  }
0x1d: {  	s5 =	simm.s32 @p1 $0x1;
	p0 =	seq.s32 s7, s2  }
0x1e: {  	s7 =	smul.u32 @!p0 $0xF7A, s2;
	p2 =	seq.s32 @!p0 s5, $0x0  }
0x1f: {  	s9 =	smul.u32 $0xF7A, s1;
	s8 =	simm.s32 @!p0 $0x1BF5;
	p2 =	por !p2, p0  }
0x20: {  	[sflag:s8] =	ssyncset.s32 @!p0 $0xFFFFF086;
	s6 =	sadd.s32 @!p0 s3, s7;
	s7 =	simm.s32 @!p0 $0x108  }
0x21: {  	s3 =	sadd.s32 s3, s9;
	s6 =	sadd.s32 @!p0 $0x88, s6;
	s7 =	simm.s32 @p2 $0x1082  }
0x22: {  	[simem:s7], [sflag:s8] =	dma.local @!p0 [hbm:s6], $0xF7A  }
0x23: {  	s9 =	sor.u32 $0xD0000000, s2;
	s6 =	simm.s32 $0x108;
	_ =	swait.ge @!p0 [sflag:s8], $0x0  }
0x24: {  	s3 =	sadd.s32 $0x88, s3;
	s6 =	simm.s32 @!p1 $0x1082;
	[sflag:s4] =	ssyncset.s32 $0xFFFFF086  }
0x25: {  	[simem:s6], [sflag:s4] =	dma.local [hbm:s3], $0xF7A  }
0x26: {  	[smem:$0x3F9E] =	sst s1;
	(tag) =	ssettag s2;
	_ =	strace s9  }
0x27: {  	s1 =	sld [smem:$0x3FAE]  }
0x28: {  	s2 =	sld [smem:$0x3FAF]  }
0x29: {  	s4 =	sld [smem:$0x3FB1]  }
0x2a: {  	p0 =	seq.s32 s5, $0x0;
	s5 =	sld [smem:$0x3FB2]  }
0x2b: {  	s6 =	sld [smem:$0x3FB3]  }
0x2c: {  	s7 =	sld [smem:$0x3FB4]  }
0x2d: {  	s3 =	simm.s32 $0x108;
	s8 =	sld [smem:$0x3FB5]  }
0x2e: {  	s3 =	simm.s32 @!p0 $0x1082;
	s9 =	sld [smem:$0x3FB6]  }
0x2f: {  	lr =	sadd.s32 s0, s3;
	s0 =	sld [smem:$0x3FAD]  }
0x30: {  	s3 =	sld [smem:$0x3FB0]  }
0x31: {  	[smem:$0x3FB9] =	sst s10  }
0x32: {  	s10 =	sld [smem:$0x3FB7];
	_ =	sdelay $0x3  }
0x33: {  	p0 =	seq.s32 s10, $0x1;
	s10 =	sld [smem:$0x3FB9];
	_ =	sdelay $0x3  }
0x34: {  	[smem:$0x3FB9] =	sst s10  }
0x35: {  	s10 =	sld [smem:$0x3FB8];
	_ =	sdelay $0x3  }
0x36: {  	p1 =	seq.s32 s10, $0x1;
	s10 =	sld [smem:$0x3FB9];
	_ =	sdelay $0x3  }
0x37: {  	[smem:$0x3FB9] =	sst s10  }
0x38: {  	s10 =	sld [smem:$0x3FBA]  }
0x39: {  	_ = 	snop;
	(pc) =	sbr.ind lr, $3  }
0x3a: {  	_ = 	snop  }
0x3b: {  	_ = 	snop  }
0x3c: {  	p2 =	seq.s32 s10, $0x1;
	s10 =	sld [smem:$0x3FB9]  }
0x3d: {  	_ =	shalt  }
0x3e: {  	_ =	shalt  }
0x3f: {  	_ =	shalt  }
0x40: {  	_ =	shalt  }
0x41: {  	_ =	shalt  }
0x42: {  	_ =	shalt  }
0x43: {  	_ =	shalt  }
0x44: {  	_ =	shalt  }
0x45: {  	_ =	shalt  }
0x46: {  	_ =	shalt  }
0x47: {  	_ =	shalt  }
0x48: {  	_ =	shalt  }
0x49: {  	_ =	shalt  }
0x4a: {  	_ =	shalt  }
0x4b: {  	_ =	shalt  }
0x4c: {  	_ =	shalt  }
0x4d: {  	_ =	shalt  }
0x4e: {  	_ =	shalt  }
0x4f: {  	_ =	shalt  }
0x50: {  	_ =	shalt  }
0x51: {  	_ =	shalt  }
0x52: {  	_ =	shalt  }
0x53: {  	_ =	shalt  }
0x54: {  	_ =	shalt  }
0x55: {  	_ =	shalt  }
0x56: {  	_ =	shalt  }
0x57: {  	_ =	shalt  }
0x58: {  	_ =	shalt  }
0x59: {  	_ =	shalt  }
0x5a: {  	_ =	shalt  }
0x5b: {  	_ =	shalt  }
0x5c: {  	_ =	shalt  }
0x5d: {  	_ =	shalt  }
0x5e: {  	_ =	shalt  }
0x5f: {  	_ =	shalt  }
0x60: {  	_ =	shalt  }
0x61: {  	_ =	shalt  }
0x62: {  	_ =	shalt  }
0x63: {  	_ =	shalt  }
0x64: {  	_ =	shalt  }
0x65: {  	_ =	shalt  }
0x66: {  	_ =	shalt  }
0x67: {  	_ =	shalt  }
0x68: {  	_ =	shalt  }
0x69: {  	_ =	shalt  }
0x6a: {  	_ =	shalt  }
0x6b: {  	_ =	shalt  }
0x6c: {  	_ =	shalt  }
0x6d: {  	_ =	shalt  }
0x6e: {  	_ =	shalt  }
0x6f: {  	_ =	shalt  }
0x70: {  	_ =	shalt  }
0x71: {  	_ =	shalt  }
0x72: {  	_ =	shalt  }
0x73: {  	_ =	shalt  }
0x74: {  	_ =	shalt  }
0x75: {  	_ =	shalt  }
0x76: {  	_ =	shalt  }
0x77: {  	_ =	shalt  }
0x78: {  	_ =	shalt  }
0x79: {  	_ =	shalt  }
0x7a: {  	_ =	shalt  }
0x7b: {  	_ =	shalt  }
0x7c: {  	_ =	shalt  }
0x7d: {  	_ =	shalt  }
0x7e: {  	_ =	shalt  }
0x7f: {  	_ =	shalt  }
0x80: {  	_ =	shalt  }
0x81: {  	_ =	shalt  }
0x82: {  	_ =	shalt  }
0x83: {  	_ =	shalt  }
0x84: {  	_ =	shalt  }
0x85: {  	_ =	shalt  }
0x86: {  	_ =	shalt  }
0x87: {  	_ =	shalt  }
.Lfunc_end0:
.L_simem_size_0:
called_computation_lowered:
.L_overlay_start_0:
0x88: {  	s2 =	sld [smem:$0x3FD9]  }
0x89: {  	s3 =	sld [smem:$0x3FFE];
	_ =	sdelay $0x1  }
0x8a: {  	s1 =	srdreg.scid  }
0x8b: {  	s0 =	sand.u32 $0x1, s1  }
0x8c: {  	s14 =	sshll.u32 s0, $0xA;
	s2 =	sadd.s32 s3, s2  }
0x8d: {  	s2 =	sadd.s32 s2, s14  }
0x8e: {  	[smem:$0x3FC5] =	sst s2  }
0x8f: {  	_ = 	snop  }
0x90: {  	s2 =	sld [smem:$0x3FD0];
	_ =	sdelay $0x2  }
0x91: {  	s4 =	simm.s32 $0xA;
	s5 =	simm.s32 $0x10;
	s15 =	sld [smem:$0x3FC9]  }
0x92: {  	[smem:s5], [sflag:s4] =	dma.local [hbm:s2], $0x1  }
0x93: {  	_ =	swait.eq [sflag:s4], $0x1  }
0x94: {  	[sflag:s4] =	ssyncset.done $0x0  }
0x95: {  	s16 =	sld [smem:$0x10];
	[sflag:s4] =	ssyncadd.s32 $0xFFFFFFFF  }
0x96: {  	s17 =	sld [smem:$0x11];
	(tm) =	ssettm $0x1  }
0x97: {  	s18 =	sld [smem:$0x3FFB];
	_ =	sdelay $0x3  }
0x98: {  	_ =	strace s18  }
0x99: {  	s5 =	sld [smem:$0x3FFC];
	_ =	sdelay $0x3  }
0x9a: {  	_ =	strace s5  }
0x9b: {  	s5 =	sld [smem:$0x3FFD];
	_ =	sdelay $0x3  }
0x9c: {  	_ =	strace s5  }
0x9d: {  	_ =	strace $0x8FFFFFFF  }
0x9e: {  	s19 =	sld [smem:$0x3FDB];
	_ =	sdelay $0x1  }
0x9f: {  	s6 =	simm.s32 $_scs_section_size  }
0xa0: {  	s7 =	simm.s32 $_size__tile_overlayer_lowered;
	s8 =	simm.s32 $_tile_overlayer_lowered  }
0xa1: {  	s22 =	simm.s32 $0x1BFF;
	s21 =	sshll.u32 s8, $0x1;
	s5 =	sadd.s32 s6, s19  }
0xa2: {  	s9 =	simm.s32 $0x0;
	s20 =	sshll.u32 s7, $0x1;
	s7 =	sadd.s32 s21, s5  }
0xa3: {  	[timem:s9], [sflag:s22] =	dma.local [hbm:s7], s20  }
0xa4: {  	_ =	swait.ge [sflag:s22], s20  }
0xa5: {  	s6 =	ssub.s32 $0x0, s20;
	[sflag:s22] =	ssyncset.done $0x0  }
0xa6: {  	[sflag:s22] =	ssyncadd.s32 s6;
	_ =	sdelay $0x1  }
0xa7: {  	s23 =	simm.s32 $0x1B8B  }
0xa8: {  	_ =	swait.ge [sflag:s23], $0x1  }
0xa9: {  	[sflag:s23] =	ssyncset.done $0x0  }
0xaa: {  	s25 =	simm.s32 $0x1B8E;
	s24 =	sld [smem:$0x3FFE];
	[sflag:s23] =	ssyncadd.s32 $0xFFFFFFFF  }
0xab: {  	s26 =	simm.s32 $execute0_lowered;
	[smem:$0x3FD2] =	sst s25  }
0xac: {  	s7 =	sshll.u32 s26, $0x1;
	_ =	strace $0x80000046;
	[dreg:$0x1] =	wrdreg $0xFFFFFFFF  }
0xad: {  	s28 =	simm.s32 $_size_execute0_lowered;
	s5 =	sadd.s32 s5, s7;
	[dreg:$0x0] =	wrdreg $0x0  }
0xae: {  	s7 =	sshll.u32 s28, $0x1;
	[dreg:$0x2] =	wrdreg s5  }
0xaf: {  	[dreg:$0x3] =	wrdreg s7  }
0xb0: {  	[dreg:$0x4] =	wrdreg $0xC0  }
0xb1: {  	_ =	task [dreg:s9], $0x5FFFF  }
0xb2: {  	[dreg:$0x1] =	wrdreg $0xFFFFFFFF  }
0xb3: {  	[dreg:$0x0] =	wrdreg $0x60  }
0xb4: {  	[dreg:$0x2] =	wrdreg s15  }
0xb5: {  	[dreg:$0x3] =	wrdreg s17  }
0xb6: {  	[dreg:$0x4] =	wrdreg s24  }
0xb7: {  	[dreg:$0x5] =	wrdreg s16  }
0xb8: {  	[dreg:$0x6] =	wrdreg $0x9  }
0xb9: {  	_ =	task.clear_ibuf [dreg:s9], $0x7FFFF;
	_ =	strace $0x90000046  }
0xba: {  	s29 =	simm.s32 $0x9;
	_ =	strace $0x80000048  }
0xbb: {  	_ =	swait.ge [sflag:s29], $0x1  }
0xbc: {  	[sflag:s29] =	ssyncadd.s32 $0xFFFFFFFF  }
0xbd: {  	_ =	strace $0x90000048  }
0xbe: {  	_ =	sfence  }
0xbf: {  	s30 =	sld [smem:$0x0];
	_ =	sdelay $0x2  }
0xc0: {  	s31 =	sshll.u32 s1, $0xD;
	s1 =	sshrl.u32 s1, $0x2  }
0xc1: {  	s3 =	sand.u32 $0x4000, s31;
	s1 =	sadd.s32 s1, s30  }
0xc2: {  	s0 =	sor.u32 s3, s0;
	s1 =	sshll.u32 s1, $0x11  }
0xc3: {  	s0 =	sor.u32 s1, s0  }
0xc4: {  	s0 =	sadd.s32 $0x8F2B, s0  }
0xc5: {  	[sflag:s0] =	ssyncadd.remote.s32 $0x1  }
0xc6: {  	_ =	sfence.sel $0xFFFF  }
0xc7: {  	[dreg:$0x0] =	wrdreg $0xFFFFFFFF;
	(pc) =	sbr.abs _section_cstart, $3  }
0xc8: {  	[dreg:$0x1] =	wrdreg $0xFFFFFFFF  }
0xc9: {  	_ =	task.clear_ibuf [dreg:s9], $0x2FFFF;
	_ =	strace $0x9FFFFFFF  }
0xca: {  	(tm) =	ssettm $0x7FFFFFFF  }
0xcb: {  	_ =	shalt  }
tec
execute0_lowered:
.L_overlay_start_1:
0x0: {  	(tag) =	ssettag $0x1  }
0x1: {  	s1 =	rddreg [dreg:$0x0]  }
0x2: {  	s2 =	rddreg [dreg:$0x1]  }
0x3: {  	s5 =	rddreg [dreg:$0x2];
	s3 =	srdreg.scid  }
0x4: {  	s0 =	stileid.u32;
	s8 =	rddreg [dreg:$0x3]  }
0x5: {  	s11 =	simm.s32 $0x1C00;
	s12 =	simm.s32 $0x5C00;
	s13 =	simm.s32 $0x100  }
0x6: {  	s14 =	simm.s32 $0x9C00;
	s15 =	simm.s32 $0x1;
	s16 =	simm.s32 $0x3  }
0x7: {  	s17 =	simm.s32 $0x2;
	s18 =	simm.s32 $0x19C00;
	s19 =	simm.s32 $0x0  }
0x8: {  	s9 =	sand.u32 $0x1, s3;
	s4 =	sshll.u32 s0, $0x1;
	s3 =	rddreg [dreg:$0x4]  }
0x9: {  	s31 =	sshll.u32 s0, $0xC;
	s6 =	sor.u32 s9, s4;
	s4 =	simm.s32 $0x0  }
0xa: {  	s7 =	ssub.s32 $0x2, s9;
	s8 =	sadd.s32 s31, s8;
	s9 =	sshll.u32 s9, $0xB  }
0xb: {  	s6 =	smul.u32 $0x380, s6;
	[smem:$0x7FF] =	sst s4;
	s10 =	sshrl.u32 s7, $0x1  }
0xc: {  	s8 =	sadd.s32 s9, s8;
	s9 =	simm.s32 $0x4;
	_ =	strace $0x80000047  }
0xd: {  	s7 =	ssub.s32 s7, s10;
	s10 =	simm.s32 $0x80;
	s6 =	sadd.s32 s6, s5  }
0xe: {  	s7 =	smax.u32 s7, $0x1;
	s5 =	sadd.s32 $0x400, s6;
	s6 =	sadd.s32 $0x7400, s6  }
.LBB2_1:
0xf: {  	[tilespmem:s4], [sflag:$0x4] =	stream.linear.gather [hbm4b:s5+s4], $0x1900, $0x38;
	[tilespmem:$0x1B800] =	vst v63  }
0x10: {  	_ =	swait.ge [sflag:s9], $0x1900  }
0x11: {  	[sflag:s9] =	ssyncset.done $0x0  }
0x12: {  	[sflag:s9] =	ssyncadd.s32 $0xFFFFE700  }
0x13: {  	[tilespmem:s11], [sflag:$0x1] =	stream.indirect.gather [hbm4b:s1+s10], $0x80, s4, s10, $0xb8;
	[tilespmem:$0x1B800] =	vst v63  }
0x14: {  	s20 =	simm.s32 $0x180  }
0x15: {  	[tilespmem:s12], [sflag:$0x1] =	stream.indirect.gather [hbm4b:s1+s10], $0x80, s10, s10, $0xb8;
	[tilespmem:$0x1B800] =	vst v63  }
0x16: {  	s21 =	simm.s32 $0x19C00;
	s22 =	smov.u32 s8;
	s23 =	simm.s32 $0x0  }
0x17: {  	[tilespmem:s14], [sflag:$0x1] =	stream.indirect.gather [hbm4b:s1+s10], $0x80, s13, s10, $0xb8;
	[tilespmem:$0x1B800] =	vst v63  }
.LBB2_2:
0x18: {  	s24 =	smul.u32 $0xAB, s23;
	_ =	sdelay $0x1  }
0x19: {  	s24 =	sshrl.u32 s24, $0xA  }
0x1a: {  	s24 =	sand.u32 $0x3F, s24  }
0x1b: {  	s25 =	sadd.s32 $0xFFFFFE80, s20;
	s24 =	smul.u32 $0x6, s24  }
0x1c: {  	[tilespmem:s21], [sflag:$0x2] =	stream.indirect.gather [hbm4b:s2+s10], $0x1, s25, s10, $0xb8;
	[tilespmem:$0x1B800] =	vst v63  }
0x1d: {  	s24 =	ssub.s32 s23, s24  }
0x1e: {  	_ =	swait.ge [sflag:s15], $0x4000;
	s24 =	sand.u32 $0xFF, s24  }
0x1f: {  	[sflag:s15] =	ssyncset.done $0x0;
	s24 =	sshll.u32 s24, $0xE  }
0x20: {  	p0 =	slt.u32 s23, $0x3;
	[sflag:s15] =	ssyncadd.s32 $0xFFFFC000;
	s24 =	sor.u32 $0x1C00, s24  }
0x21: {  	[hbm4b:s22+s4] =	stream.linear.scatter [tilespmem:s24], [sflag:$0x3], $0x4000, $0x38;
	[tilespmem:$0x1B800] =	vst v63  }
0x22: {  	s24 =	simm.s32 @!p0 $0x3  }
0x23: {  	p1 =	sgt.u32 @!p0 s23, $0x2E;
	_ =	swait.ge @!p0 [sflag:s24], $0x4000  }
0x24: {  	p1 =	por p0, !p1;
	[sflag:s24] =	ssyncset.done @!p0 $0x0  }
0x25: {  	[sflag:s24] =	ssyncadd.s32 @!p0 $0xFFFFC000;
	s24 =	sadd.s32 @p1 $0x3, s23  }
0x26: {  	s25 =	smul.u32 @p1 $0xAB, s24;
	_ =	sdelay $0x1  }
0x27: {  	s25 =	sshrl.u32 @p1 s25, $0xA  }
0x28: {  	s25 =	sand.u32 @p1 $0x3F, s25  }
0x29: {  	s25 =	smul.u32 @p1 $0x6, s25  }
0x2a: {  	s23 =	sadd.s32 $0x1, s23  }
0x2b: {  	p0 =	sne.s32 s23, $0x32;
	s24 =	ssub.s32 @p1 s24, s25  }
.Ltmp0:
0x2c: {  	s24 =	sand.u32 @p1 $0xFF, s24;
	(pc) =	sbr.rel @p0 .LBB2_2-.Ltmp0, $4  }
0x2d: {  	s24 =	sshll.u32 @p1 s24, $0xE  }
0x2e: {  	s24 =	sor.u32 @p1 $0x1C00, s24  }
0x2f: {  	[tilespmem:s24], [sflag:$0x1] =	stream.indirect.gather @p1 [hbm4b:s1+s10], $0x80, s20, s10, $0xb8;
	[tilespmem:$0x1B800] =	vst v63  }
0x30: {  	s21 =	sadd.s32 $0x80, s21;
	s22 =	sadd.s32 $0x10000, s22;
	s20 =	sadd.s32 $0x80, s20  }
0x31: {  	_ =	swait.ge [sflag:s16], $0x4000  }
0x32: {  	[sflag:s16] =	ssyncset.done $0x0  }
0x33: {  	[sflag:s16] =	ssyncadd.s32 $0xFFFFC000  }
0x34: {  	_ =	swait.ge [sflag:s16], $0x4000  }
0x35: {  	[sflag:s16] =	ssyncset.done $0x0  }
0x36: {  	[sflag:s16] =	ssyncadd.s32 $0xFFFFC000  }
0x37: {  	_ =	swait.ge [sflag:s16], $0x4000  }
0x38: {  	[sflag:s16] =	ssyncset.done $0x0  }
0x39: {  	[sflag:s16] =	ssyncadd.s32 $0xFFFFC000  }
0x3a: {  	_ =	swait.ge [sflag:s17], $0x80  }
0x3b: {  	[sflag:s17] =	ssyncset.done $0x0  }
0x3c: {  	[sflag:s17] =	ssyncadd.s32 $0xFFFFFF80  }
0x3d: {  	_ =	swait.ge [sflag:s17], $0x80  }
0x3e: {  	[sflag:s17] =	ssyncset.done $0x0  }
0x3f: {  	[sflag:s17] =	ssyncadd.s32 $0xFFFFFF80  }
0x40: {  	_ =	swait.ge [sflag:s17], $0x80  }
0x41: {  	[sflag:s17] =	ssyncset.done $0x0  }
0x42: {  	[sflag:s17] =	ssyncadd.s32 $0xFFFFFF80  }
0x43: {  	_ =	swait.ge [sflag:s17], $0x80  }
0x44: {  	[sflag:s17] =	ssyncset.done $0x0  }
0x45: {  	[sflag:s17] =	ssyncadd.s32 $0xFFFFFF80  }
0x46: {  	_ =	swait.ge [sflag:s17], $0x80  }
0x47: {  	[sflag:s17] =	ssyncset.done $0x0  }
0x48: {  	[sflag:s17] =	ssyncadd.s32 $0xFFFFFF80  }
0x49: {  	_ =	swait.ge [sflag:s17], $0x80  }
0x4a: {  	[sflag:s17] =	ssyncset.done $0x0  }
0x4b: {  	[sflag:s17] =	ssyncadd.s32 $0xFFFFFF80  }
0x4c: {  	_ =	swait.ge [sflag:s17], $0x80  }
0x4d: {  	[sflag:s17] =	ssyncset.done $0x0  }
0x4e: {  	[sflag:s17] =	ssyncadd.s32 $0xFFFFFF80  }
0x4f: {  	_ =	swait.ge [sflag:s17], $0x80  }
0x50: {  	[sflag:s17] =	ssyncset.done $0x0  }
0x51: {  	[sflag:s17] =	ssyncadd.s32 $0xFFFFFF80  }
0x52: {  	_ =	swait.ge [sflag:s17], $0x80  }
0x53: {  	[sflag:s17] =	ssyncset.done $0x0  }
0x54: {  	[sflag:s17] =	ssyncadd.s32 $0xFFFFFF80  }
0x55: {  	_ =	swait.ge [sflag:s17], $0x80  }
0x56: {  	[sflag:s17] =	ssyncset.done $0x0  }
0x57: {  	[sflag:s17] =	ssyncadd.s32 $0xFFFFFF80  }
0x58: {  	_ =	swait.ge [sflag:s17], $0x80  }
0x59: {  	[sflag:s17] =	ssyncset.done $0x0  }
0x5a: {  	[sflag:s17] =	ssyncadd.s32 $0xFFFFFF80  }
0x5b: {  	_ =	swait.ge [sflag:s17], $0x80  }
0x5c: {  	[sflag:s17] =	ssyncset.done $0x0  }
0x5d: {  	[sflag:s17] =	ssyncadd.s32 $0xFFFFFF80  }
0x5e: {  	_ =	swait.ge [sflag:s17], $0x80  }
0x5f: {  	[sflag:s17] =	ssyncset.done $0x0  }
0x60: {  	[sflag:s17] =	ssyncadd.s32 $0xFFFFFF80  }
0x61: {  	_ =	swait.ge [sflag:s17], $0x80  }
0x62: {  	[sflag:s17] =	ssyncset.done $0x0  }
0x63: {  	[sflag:s17] =	ssyncadd.s32 $0xFFFFFF80  }
0x64: {  	_ =	swait.ge [sflag:s17], $0x80  }
0x65: {  	[sflag:s17] =	ssyncset.done $0x0  }
0x66: {  	[sflag:s17] =	ssyncadd.s32 $0xFFFFFF80  }
0x67: {  	_ =	swait.ge [sflag:s17], $0x80  }
0x68: {  	[sflag:s17] =	ssyncset.done $0x0  }
0x69: {  	[sflag:s17] =	ssyncadd.s32 $0xFFFFFF80  }
0x6a: {  	_ =	swait.ge [sflag:s17], $0x80  }
0x6b: {  	[sflag:s17] =	ssyncset.done $0x0  }
0x6c: {  	[sflag:s17] =	ssyncadd.s32 $0xFFFFFF80  }
0x6d: {  	_ =	swait.ge [sflag:s17], $0x80  }
0x6e: {  	[sflag:s17] =	ssyncset.done $0x0  }
0x6f: {  	[sflag:s17] =	ssyncadd.s32 $0xFFFFFF80  }
0x70: {  	_ =	swait.ge [sflag:s17], $0x80  }
0x71: {  	[sflag:s17] =	ssyncset.done $0x0  }
0x72: {  	[sflag:s17] =	ssyncadd.s32 $0xFFFFFF80  }
0x73: {  	_ =	swait.ge [sflag:s17], $0x80  }
0x74: {  	[sflag:s17] =	ssyncset.done $0x0  }
0x75: {  	[sflag:s17] =	ssyncadd.s32 $0xFFFFFF80  }
0x76: {  	_ =	swait.ge [sflag:s17], $0x80  }
0x77: {  	[sflag:s17] =	ssyncset.done $0x0  }
0x78: {  	[sflag:s17] =	ssyncadd.s32 $0xFFFFFF80  }
0x79: {  	_ =	swait.ge [sflag:s17], $0x80  }
0x7a: {  	[sflag:s17] =	ssyncset.done $0x0  }
0x7b: {  	[sflag:s17] =	ssyncadd.s32 $0xFFFFFF80  }
0x7c: {  	_ =	swait.ge [sflag:s17], $0x80  }
0x7d: {  	[sflag:s17] =	ssyncset.done $0x0  }
0x7e: {  	[sflag:s17] =	ssyncadd.s32 $0xFFFFFF80  }
0x7f: {  	_ =	swait.ge [sflag:s17], $0x80  }
0x80: {  	[sflag:s17] =	ssyncset.done $0x0  }
0x81: {  	[sflag:s17] =	ssyncadd.s32 $0xFFFFFF80  }
0x82: {  	_ =	swait.ge [sflag:s17], $0x80  }
0x83: {  	[sflag:s17] =	ssyncset.done $0x0  }
0x84: {  	[sflag:s17] =	ssyncadd.s32 $0xFFFFFF80  }
0x85: {  	_ =	swait.ge [sflag:s17], $0x80  }
0x86: {  	[sflag:s17] =	ssyncset.done $0x0  }
0x87: {  	[sflag:s17] =	ssyncadd.s32 $0xFFFFFF80  }
0x88: {  	_ =	swait.ge [sflag:s17], $0x80  }
0x89: {  	[sflag:s17] =	ssyncset.done $0x0  }
0x8a: {  	[sflag:s17] =	ssyncadd.s32 $0xFFFFFF80  }
0x8b: {  	_ =	swait.ge [sflag:s17], $0x80  }
0x8c: {  	[sflag:s17] =	ssyncset.done $0x0  }
0x8d: {  	[sflag:s17] =	ssyncadd.s32 $0xFFFFFF80  }
0x8e: {  	_ =	swait.ge [sflag:s17], $0x80  }
0x8f: {  	[sflag:s17] =	ssyncset.done $0x0  }
0x90: {  	[sflag:s17] =	ssyncadd.s32 $0xFFFFFF80  }
0x91: {  	_ =	swait.ge [sflag:s17], $0x80  }
0x92: {  	[sflag:s17] =	ssyncset.done $0x0  }
0x93: {  	[sflag:s17] =	ssyncadd.s32 $0xFFFFFF80  }
0x94: {  	_ =	swait.ge [sflag:s17], $0x80  }
0x95: {  	[sflag:s17] =	ssyncset.done $0x0  }
0x96: {  	[sflag:s17] =	ssyncadd.s32 $0xFFFFFF80  }
0x97: {  	_ =	swait.ge [sflag:s17], $0x80  }
0x98: {  	[sflag:s17] =	ssyncset.done $0x0  }
0x99: {  	[sflag:s17] =	ssyncadd.s32 $0xFFFFFF80  }
0x9a: {  	_ =	swait.ge [sflag:s17], $0x80  }
0x9b: {  	[sflag:s17] =	ssyncset.done $0x0  }
0x9c: {  	[sflag:s17] =	ssyncadd.s32 $0xFFFFFF80  }
0x9d: {  	_ =	swait.ge [sflag:s17], $0x80  }
0x9e: {  	[sflag:s17] =	ssyncset.done $0x0  }
0x9f: {  	[sflag:s17] =	ssyncadd.s32 $0xFFFFFF80  }
0xa0: {  	_ =	swait.ge [sflag:s17], $0x80  }
0xa1: {  	[sflag:s17] =	ssyncset.done $0x0  }
0xa2: {  	[sflag:s17] =	ssyncadd.s32 $0xFFFFFF80  }
0xa3: {  	_ =	swait.ge [sflag:s17], $0x80  }
0xa4: {  	[sflag:s17] =	ssyncset.done $0x0  }
0xa5: {  	[sflag:s17] =	ssyncadd.s32 $0xFFFFFF80  }
0xa6: {  	_ =	swait.ge [sflag:s17], $0x80  }
0xa7: {  	[sflag:s17] =	ssyncset.done $0x0  }
0xa8: {  	[sflag:s17] =	ssyncadd.s32 $0xFFFFFF80  }
0xa9: {  	_ =	swait.ge [sflag:s17], $0x80  }
0xaa: {  	[sflag:s17] =	ssyncset.done $0x0  }
0xab: {  	[sflag:s17] =	ssyncadd.s32 $0xFFFFFF80  }
0xac: {  	_ =	swait.ge [sflag:s17], $0x80  }
0xad: {  	[sflag:s17] =	ssyncset.done $0x0  }
0xae: {  	[sflag:s17] =	ssyncadd.s32 $0xFFFFFF80  }
0xaf: {  	_ =	swait.ge [sflag:s17], $0x80  }
0xb0: {  	[sflag:s17] =	ssyncset.done $0x0  }
0xb1: {  	[sflag:s17] =	ssyncadd.s32 $0xFFFFFF80  }
0xb2: {  	_ =	swait.ge [sflag:s17], $0x80  }
0xb3: {  	[sflag:s17] =	ssyncset.done $0x0  }
0xb4: {  	[sflag:s17] =	ssyncadd.s32 $0xFFFFFF80  }
0xb5: {  	_ =	swait.ge [sflag:s17], $0x80  }
0xb6: {  	[sflag:s17] =	ssyncset.done $0x0  }
0xb7: {  	[sflag:s17] =	ssyncadd.s32 $0xFFFFFF80  }
0xb8: {  	_ =	swait.ge [sflag:s17], $0x80  }
0xb9: {  	[sflag:s17] =	ssyncset.done $0x0  }
0xba: {  	[sflag:s17] =	ssyncadd.s32 $0xFFFFFF80  }
0xbb: {  	_ =	swait.ge [sflag:s17], $0x80  }
0xbc: {  	[sflag:s17] =	ssyncset.done $0x0  }
0xbd: {  	[sflag:s17] =	ssyncadd.s32 $0xFFFFFF80  }
0xbe: {  	_ =	swait.ge [sflag:s17], $0x80  }
0xbf: {  	[sflag:s17] =	ssyncset.done $0x0  }
0xc0: {  	[sflag:s17] =	ssyncadd.s32 $0xFFFFFF80  }
0xc1: {  	_ =	swait.ge [sflag:s17], $0x80  }
0xc2: {  	[sflag:s17] =	ssyncset.done $0x0  }
0xc3: {  	[sflag:s17] =	ssyncadd.s32 $0xFFFFFF80  }
0xc4: {  	_ =	swait.ge [sflag:s17], $0x80  }
0xc5: {  	[sflag:s17] =	ssyncset.done $0x0  }
0xc6: {  	[sflag:s17] =	ssyncadd.s32 $0xFFFFFF80  }
0xc7: {  	_ =	swait.ge [sflag:s17], $0x80  }
0xc8: {  	[sflag:s17] =	ssyncset.done $0x0  }
0xc9: {  	[sflag:s17] =	ssyncadd.s32 $0xFFFFFF80  }
0xca: {  	_ =	swait.ge [sflag:s17], $0x80  }
0xcb: {  	[sflag:s17] =	ssyncset.done $0x0  }
0xcc: {  	[sflag:s17] =	ssyncadd.s32 $0xFFFFFF80  }
0xcd: {  	s19 =	sadd.s32 $0x1, s19;
	_ =	swait.ge [sflag:s17], $0x80  }
0xce: {  	p0 =	sne.s32 s19, s7;
	[sflag:s17] =	ssyncset.done $0x0  }
.Ltmp1:
0xcf: {  	[sflag:s17] =	ssyncadd.s32 $0xFFFFFF80;
	(pc) =	sbr.rel @p0 .LBB2_1-.Ltmp1, $4  }
0xd0: {  	[hbm4b:s6+s4] =	stream.linear.scatter [tilespmem:s18], [sflag:$0x4], $0x1900, $0x38;
	[tilespmem:$0x1B800] =	vst v63  }
0xd1: {  	_ =	swait.ge [sflag:s9], $0x1900  }
0xd2: {  	[sflag:s9] =	ssyncset.done $0x0  }
0xd3: {  	[sflag:s9] =	ssyncadd.s32 $0xFFFFE700  }
0xd4: {  	_ =	sfence.sel $0x180000  }
0xd5: {  	[bflag:$0x0] =	sbarrier.arrive $0xFFFF  }
0xd6: {  	p0 =	sne.s32 s0, $0x0;
	_ =	strace $0x90000047  }
0xd7: {  	s0 =	sadd.s32 @!p0 $0x100000, s3;
	[bflag:$0x2] =	sbarrier.arrive $0xFFFF  }
0xd8: {  	[sflag:s0] =	ssyncadd.tile.s32 @!p0 $0x1;
	_ =	shalt  }
.Lfunc_end2:
_tile_overlayer_lowered:
.L_overlay_start_2:
0xd9: {  	(tag) =	ssettag $0x2  }
0xda: {  	s0 =	rddreg [dreg:$0x0];
	s2 =	stileid.u32  }
0xdb: {  	s1 =	rddreg [dreg:$0x1];
	p0 =	sne.s32 s2, $0x0  }
0xdc: {  	s3 =	rddreg [dreg:$0x2];
	[bflag:$0x3] =	sbarrier.arrive $0xFFFF;
	s2 =	simm.s32 @!p0 $0x1C04  }
0xdd: {  	[timem:s3], [sflag:s2] =	dma.local @!p0 [hbm:s0], s1  }
0xde: {  	s0 =	simm.s32 @!p0 $0x4  }
0xdf: {  	_ =	swait.ge @!p0 [sflag:s0], s1  }
0xe0: {  	s1 =	ssub.s32 @!p0 $0x0, s1;
	[sflag:s0] =	ssyncset.done @!p0 $0x0  }
0xe1: {  	[sflag:s0] =	ssyncadd.s32 @!p0 s1  }
0xe2: {  	[bflag:$0x3] =	sbarrier.arrive $0xFFFF  }
0xe3: {  	_ =	shalt  }

</sc_bundles>
